<compile_context>
chip_gen: v7x
topology: tpu7x:2x2x1
jax: 0.10.2.dev20260603
libtpu: 0.0.44.dev20260713+nightly
codegen_flags: <defaults>
</compile_context>

<pallas_src>
import functools

import jax
import jax.numpy as jnp
from jax import lax
from jax.experimental import pallas as pl
from jax.experimental.pallas import tpu as pltpu
from jax.experimental.pallas import tpu_sc as plsc

_TOPK = 64
_B = 128
_SC_ROWS = 64
_RPW = _SC_ROWS // 32
_H = 32768
_NV = _H // 16
_NGRP = 16
_GV = _NV // _NGRP
_NCHUNK = _NGRP * 16
_CAND_MAX = _H
_INT_MIN = -2147483648
_INT_MAX = 2147483647


def _key16(v):
    u = lax.bitcast_convert_type(v, jnp.int32)
    return jnp.where(u >= 0, u, jnp.int32(_INT_MIN) - u)


def _inv_key16(k):
    u = jnp.where(k > 0, k, jnp.int32(_INT_MIN) - k)
    return lax.bitcast_convert_type(u, jnp.float32)


def _shuffle(v, perm):
    dn = lax.GatherDimensionNumbers(
        offset_dims=(), collapsed_slice_dims=(0,), start_index_map=(0,))
    return lax.gather(v, perm.reshape(16, 1), dn, (1,),
                      mode=lax.GatherScatterMode.PROMISE_IN_BOUNDS)


def _lanesum(c):
    io = lax.iota(jnp.int32, 16)
    for k in (1, 2, 4, 8):
        c = c + _shuffle(c, io ^ k)
    return c


def _popcnt(mask):
    return _lanesum(jnp.where(mask, jnp.full((16,), 1, jnp.int32),
                               jnp.full((16,), 0, jnp.int32)))


def _count_ge(buf, nv, mid):

    def body(i, c):
        k = _key16(buf[pl.ds(i * 16, 16)])
        return c + jnp.where(k >= mid, jnp.full((16,), 1, jnp.int32),
                             jnp.full((16,), 0, jnp.int32))

    return _lanesum(lax.fori_loop(0, nv, body, jnp.zeros((16,), jnp.int32)))



def _bisect_ge(buf, nv, lo, hi, target):

    def body(_, s):
        lo, hi = s
        mid = (lo >> 1) + (hi >> 1) + (lo & hi & 1) + ((lo ^ hi) & 1)
        p = _count_ge(buf, nv, mid) >= target
        return jnp.where(p, mid, lo), jnp.where(p, hi, mid - 1)

    return lax.fori_loop(0, 32, body, (lo, hi))[0]


def _splat(x):
    return jnp.full((16,), x, jnp.int32)


def _sc_body(x_hbm, out_hbm, xv, mv, cand):
    wid = lax.axis_index("s") * 2 + lax.axis_index("c")

    def row_body(j, _unused):
        base = (wid * _RPW + j) * _H
        pltpu.sync_copy(x_hbm.at[pl.ds(base, _H)], xv)

        def grp(g, _):
            def inner(t, accs):
                a0, a1 = accs
                b = (g * _GV + t * 8) * 16
                v = [xv[pl.ds(b + k * 16, 16)] for k in range(8)]
                m01 = jnp.maximum(v[0], v[1])
                m23 = jnp.maximum(v[2], v[3])
                m45 = jnp.maximum(v[4], v[5])
                m67 = jnp.maximum(v[6], v[7])
                return (jnp.maximum(a0, jnp.maximum(m01, m23)),
                        jnp.maximum(a1, jnp.maximum(m45, m67)))

            ninf = jnp.full((16,), -jnp.inf, jnp.float32)
            a0, a1 = lax.fori_loop(0, _GV // 8, inner, (ninf, ninf))
            mv[pl.ds(g * 16, 16)] = jnp.maximum(a0, a1)
            return 0

        lax.fori_loop(0, _NGRP, grp, 0)

        mxv = mv[pl.ds(0, 16)]
        for g in range(1, _NGRP):
            mxv = jnp.maximum(mxv, mv[pl.ds(g * 16, 16)])
        io0 = lax.iota(jnp.int32, 16)
        for k in (1, 2, 4, 8):
            mxv = jnp.maximum(mxv, _shuffle(mxv, io0 ^ k))
        maxk = _key16(mxv)

        m65 = _bisect_ge(mv, _NGRP, _splat(_INT_MIN), maxk,
                         _splat(_TOPK + 1))
        m65f = _inv_key16(m65)

        def scan(i, ns):
            b = i * 8 * 16
            v = [xv[pl.ds(b + k * 16, 16)] for k in range(8)]
            m01 = jnp.maximum(v[0], v[1])
            m23 = jnp.maximum(v[2], v[3])
            m45 = jnp.maximum(v[4], v[5])
            m67 = jnp.maximum(v[6], v[7])
            mx = jnp.maximum(jnp.maximum(m01, m23), jnp.maximum(m45, m67))
            a = _popcnt(mx >= m65f)[0] > 0

            def hit(n):
                for k in range(8):
                    v = xv[pl.ds(b + k * 16, 16)]
                    m = v >= m65f
                    cand[pl.ds(n * 16, 16)] = jnp.where(
                        m, v, jnp.full((16,), -jnp.inf, jnp.float32))
                    n = n + jnp.where(_popcnt(m)[0] > 0,
                                      jnp.int32(1), jnp.int32(0))
                return n

            return lax.cond(a, hit, lambda n: n, ns)

        nvc = lax.fori_loop(0, _NV // 8, scan, jnp.int32(0))

        tkey = _bisect_ge(cand, nvc, m65, maxk, _splat(_TOPK))
        in_range = tkey < _INT_MAX
        c_gt = jnp.where(
            in_range,
            _count_ge(cand, nvc, jnp.where(in_range, tkey + 1, tkey)),
            _splat(0))
        need_eq = _splat(_TOPK) - c_gt
        tf = _inv_key16(tkey)

        def eqcount(i, c):
            kc = _key16(cand[pl.ds(i * 16, 16)])
            return c + jnp.where(kc == tkey, jnp.full((16,), 1, jnp.int32),
                                 jnp.full((16,), 0, jnp.int32))

        ce = _lanesum(
            lax.fori_loop(0, nvc, eqcount, jnp.zeros((16,), jnp.int32)))

        def out_scan(i, _):
            b = i * 8 * 16
            for k in range(8):
                v = xv[pl.ds(b + k * 16, 16)]
                xv[pl.ds(b + k * 16, 16)] = jnp.where(
                    v >= tf, v, jnp.float32(0.0))
            return 0

        lax.fori_loop(0, _NV // 8, out_scan, 0)

        excess = (ce - need_eq)[0]
        nfix = jnp.where(excess > 0, jnp.int32(_NV), jnp.int32(0))
        io = lax.iota(jnp.int32, 16)

        def fixscan(i, bv):
            v = xv[pl.ds(i * 16, 16)]
            meqi = jnp.where(v == tf, _splat(1), _splat(0))
            pre = meqi
            for k in (1, 2, 4, 8):
                shifted = _shuffle(pre, jnp.maximum(io - k, _splat(0)))
                pre = pre + jnp.where(io >= k, shifted, _splat(0))
            rank_ex = pre - meqi
            zm = meqi * jnp.where(rank_ex >= bv, _splat(1), _splat(0))
            xv[pl.ds(i * 16, 16)] = jnp.where(zm > 0, jnp.float32(0.0), v)
            return bv - _lanesum(meqi)

        lax.fori_loop(0, nfix, fixscan, need_eq)

        pltpu.sync_copy(xv, out_hbm.at[pl.ds(base, _H)])
        return 0

    lax.fori_loop(0, _RPW, row_body, 0)


@functools.partial(
    pl.kernel,
    mesh=plsc.VectorSubcoreMesh(core_axis_name="c", subcore_axis_name="s"),
    out_type=jax.ShapeDtypeStruct((_SC_ROWS * _H,), jnp.float32),
    scratch_types=[
        pltpu.VMEM((_H,), jnp.float32),
        pltpu.VMEM((_NCHUNK,), jnp.float32),
        pltpu.VMEM((_CAND_MAX,), jnp.float32),
    ],
)
def _sc_topk(x_hbm, out_hbm, xv, mv, cand):
    _sc_body(x_hbm, out_hbm, xv, mv, cand)




_ROWS_PER_BLOCK = 8


def _tc_body(x_ref, o_ref):
    x = x_ref[...]
    u = lax.bitcast_convert_type(x, jnp.int32)
    key = jnp.where(u >= 0, u, jnp.int32(_INT_MIN) - u)
    lo = jnp.full((_ROWS_PER_BLOCK, 1), _INT_MIN, jnp.int32)
    hi = jnp.full((_ROWS_PER_BLOCK, 1), _INT_MAX, jnp.int32)

    def body(_, lohi):
        lo, hi = lohi
        mid = (lo >> 1) + (hi >> 1) + (lo & hi & 1) + ((lo ^ hi) & 1)
        cnt = jnp.sum((key >= mid).astype(jnp.int32), axis=1, keepdims=True)
        p = cnt >= _TOPK
        return jnp.where(p, mid, lo), jnp.where(p, hi, mid - 1)

    lo, hi = jax.lax.fori_loop(0, 32, body, (lo, hi))
    t = lo
    gt = key > t
    eq = key == t
    c_gt = jnp.sum(gt.astype(jnp.int32), axis=1, keepdims=True)
    need = _TOPK - c_gt
    eq_i = eq.astype(jnp.int32)
    ssum = eq_i
    shift = 1
    h = x.shape[1]
    while shift < h:
        shifted = jnp.concatenate(
            [jnp.zeros((_ROWS_PER_BLOCK, shift), jnp.int32),
             ssum[:, :-shift]], axis=1)
        ssum = ssum + shifted
        shift *= 2
    eq_rank = ssum - eq_i
    take = gt | (eq & (eq_rank < need))
    o_ref[...] = jnp.where(take, x, jnp.float32(0.0))


def _tc_topk(x):
    b, h = x.shape
    return pl.pallas_call(
        _tc_body,
        grid=(b // _ROWS_PER_BLOCK,),
        in_specs=[pl.BlockSpec((_ROWS_PER_BLOCK, h), lambda i: (i, 0))],
        out_specs=pl.BlockSpec((_ROWS_PER_BLOCK, h), lambda i: (i, 0)),
        out_shape=jax.ShapeDtypeStruct((b, h), jnp.float32),
    )(x)


def kernel(hidden_preactivation_BH):
    b, h = hidden_preactivation_BH.shape
    sc_in = hidden_preactivation_BH[:_SC_ROWS].reshape((_SC_ROWS * h,))
    sc_out = _sc_topk(sc_in).reshape((_SC_ROWS, h))
    tc_out = _tc_topk(hidden_preactivation_BH[_SC_ROWS:])
    return jnp.concatenate([sc_out, tc_out], axis=0)

# --- scband reference (transcript-rebuilt; emitter-appended) ---
"""Pipeline reference for scband-topk-activation-78761110274618 (READ-ONLY COPY).

The authoritative reference and input builder live on the scoring server;
editing this copy changes nothing except your own understanding.
"""

import jax, jax.numpy as jnp
import numpy as np

K = 64

def setup_inputs(seed: int = 0) -> dict:
    key = jax.random.key(seed)
    x = jax.random.normal(key, (128, 32768), dtype=jnp.float32)
    return {"hidden_preactivation_BH": x}

def reference(hidden_preactivation_BH):
    vals, idx = jax.lax.top_k(hidden_preactivation_BH, K)
    out = jnp.zeros_like(hidden_preactivation_BH)
    rows = jnp.arange(hidden_preactivation_BH.shape[0])[:, None]
    out = out.at[rows, idx].set(vals)
    return out

if __name__ == "__main__":
    import jax
    _d = setup_inputs()
    print(jax.jit(kernel)(*tuple(_d.values())))

</pallas_src>

<mosaic_0001>
#map = affine_map<(d0, d1) -> (0)>
module attributes {stable_mosaic.version = 14 : i64} {
  func.func @_sc_topk(%arg0: i32, %arg1: i32, %arg2: memref<2097152xf32, #tpu.memory_space<hbm>>, %arg3: memref<2097152xf32, #tpu.memory_space<hbm>>, %arg4: memref<32768xf32, #tpu.memory_space<vmem>>, %arg5: memref<256xf32, #tpu.memory_space<vmem>>, %arg6: memref<32768xf32, #tpu.memory_space<vmem>>) attributes {dimension_semantics = [#tpu.dimension_semantics<core_parallel>, #tpu.dimension_semantics<subcore_parallel>], iteration_bounds = array<i64: 2, 16>, scalar_prefetch = 0 : i64, scratch_operands = 3 : i64, tpu.core_type = #tpu.core_type<sc_vector_subcore>, window_params = [{transform_indices = #map}, {transform_indices = #map}]} {
    %mul3A = arith.constant 2 : i32
    %mul3A_0 = arith.muli %arg1, %mul3A : i32
    %add3A = arith.addi %mul3A_0, %arg0 : i32
    %scan3A = arith.constant 0 : i32
    %scan3A_1 = arith.constant 0 : i32
    %scan3A_2 = arith.constant 2 : i32
    %scan3A_3 = arith.addi %scan3A_1, %scan3A_2 : i32
    %scan3A_4 = arith.constant 1 : i32
    %scan3A_5 = scf.for %scan3A_7 = %scan3A_1 to %scan3A_3 step %scan3A_4 iter_args(%scan3A_8 = %scan3A) -> (i32)  : i32 {
      %mul3A_9 = arith.constant 2 : i32
      %mul3A_10 = arith.muli %add3A, %mul3A_9 : i32
      %add3A_11 = arith.addi %mul3A_10, %scan3A_7 : i32
      %mul3A_12 = arith.constant 32768 : i32
      %mul3A_13 = arith.muli %add3A_11, %mul3A_12 : i32
      "tpu.region"() ({
        %run_scoped3A = tpu.sem_alloc : memref<!tpu.dma_semaphore, #tpu.memory_space<semaphore_mem>>
        %dma_start3A = tpu.memref_slice %arg2[%mul3A_13] : memref<2097152xf32, #tpu.memory_space<hbm>> -> memref<32768xf32, #tpu.memory_space<hbm>>
        %dma_start3A_270 = tpu.memref_slice %arg2[%mul3A_13] : memref<2097152xf32, #tpu.memory_space<hbm>> -> memref<32768xf32, #tpu.memory_space<hbm>>
        tpu.enqueue_dma source(%dma_start3A_270 : memref<32768xf32, #tpu.memory_space<hbm>>) target(%arg4 : memref<32768xf32, #tpu.memory_space<vmem>>) target_semaphore(%run_scoped3A : memref<!tpu.dma_semaphore, #tpu.memory_space<semaphore_mem>>)
        %dma_wait3A = tpu.memref_slice %arg2[%mul3A_13] : memref<2097152xf32, #tpu.memory_space<hbm>> -> memref<32768xf32, #tpu.memory_space<hbm>>
        %dma_wait3A_271 = tpu.memref_slice %arg2[%mul3A_13] : memref<2097152xf32, #tpu.memory_space<hbm>> -> memref<32768xf32, #tpu.memory_space<hbm>>
        tpu.wait_dma2 semaphore(%run_scoped3A : memref<!tpu.dma_semaphore, #tpu.memory_space<semaphore_mem>>) src(%dma_wait3A_271 : memref<32768xf32, #tpu.memory_space<hbm>>) dst(%arg4 : memref<32768xf32, #tpu.memory_space<vmem>>)
        tpu.yield
      }) : () -> ()
      %scan3A_14 = arith.constant 0 : i32
      %scan3A_15 = arith.constant 0 : i32
      %scan3A_16 = arith.constant 16 : i32
      %scan3A_17 = arith.addi %scan3A_15, %scan3A_16 : i32
      %scan3A_18 = arith.constant 1 : i32
      %scan3A_19 = scf.for %scan3A_270 = %scan3A_15 to %scan3A_17 step %scan3A_18 iter_args(%scan3A_271 = %scan3A_14) -> (i32)  : i32 {
        %broadcast_in_dim3A_272 = arith.constant 0xFF800000 : f32
        %broadcast_in_dim3A_273 = vector.broadcast %broadcast_in_dim3A_272 : f32 to vector<16xf32>
        %scan3A_274 = arith.constant 0 : i32
        %scan3A_275 = arith.constant 16 : i32
        %scan3A_276 = arith.addi %scan3A_274, %scan3A_275 : i32
        %scan3A_277 = arith.constant 1 : i32
        %scan3A_278:2 = scf.for %scan3A_287 = %scan3A_274 to %scan3A_276 step %scan3A_277 iter_args(%scan3A_288 = %broadcast_in_dim3A_273, %scan3A_289 = %broadcast_in_dim3A_273) -> (vector<16xf32>, vector<16xf32>)  : i32 {
          %mul3A_290 = arith.constant 128 : i32
          %mul3A_291 = arith.muli %scan3A_270, %mul3A_290 : i32
          %mul3A_292 = arith.constant 8 : i32
          %mul3A_293 = arith.muli %scan3A_287, %mul3A_292 : i32
          %add3A_294 = arith.addi %mul3A_291, %mul3A_293 : i32
          %mul3A_295 = arith.constant 16 : i32
          %mul3A_296 = arith.muli %add3A_294, %mul3A_295 : i32
          %add3A_297 = arith.constant 0 : i32
          %add3A_298 = arith.addi %mul3A_296, %add3A_297 : i32
          %get3A_299 = arith.index_cast %add3A_298 : i32 to index
          %get3A_300 = tpu.vector_load %arg4[%get3A_299] {strides = array<i32>} : memref<32768xf32, #tpu.memory_space<vmem>>, vector<16xf32>,
          %get3A_301 = vector.shape_cast %get3A_300 : vector<16xf32> to vector<16xf32>
          %add3A_302 = arith.constant 16 : i32
          %add3A_303 = arith.addi %mul3A_296, %add3A_302 : i32
          %get3A_304 = arith.index_cast %add3A_303 : i32 to index
          %get3A_305 = tpu.vector_load %arg4[%get3A_304] {strides = array<i32>} : memref<32768xf32, #tpu.memory_space<vmem>>, vector<16xf32>,
          %get3A_306 = vector.shape_cast %get3A_305 : vector<16xf32> to vector<16xf32>
          %add3A_307 = arith.constant 32 : i32
          %add3A_308 = arith.addi %mul3A_296, %add3A_307 : i32
          %get3A_309 = arith.index_cast %add3A_308 : i32 to index
          %get3A_310 = tpu.vector_load %arg4[%get3A_309] {strides = array<i32>} : memref<32768xf32, #tpu.memory_space<vmem>>, vector<16xf32>,
          %get3A_311 = vector.shape_cast %get3A_310 : vector<16xf32> to vector<16xf32>
          %add3A_312 = arith.constant 48 : i32
          %add3A_313 = arith.addi %mul3A_296, %add3A_312 : i32
          %get3A_314 = arith.index_cast %add3A_313 : i32 to index
          %get3A_315 = tpu.vector_load %arg4[%get3A_314] {strides = array<i32>} : memref<32768xf32, #tpu.memory_space<vmem>>, vector<16xf32>,
          %get3A_316 = vector.shape_cast %get3A_315 : vector<16xf32> to vector<16xf32>
          %add3A_317 = arith.constant 64 : i32
          %add3A_318 = arith.addi %mul3A_296, %add3A_317 : i32
          %get3A_319 = arith.index_cast %add3A_318 : i32 to index
          %get3A_320 = tpu.vector_load %arg4[%get3A_319] {strides = array<i32>} : memref<32768xf32, #tpu.memory_space<vmem>>, vector<16xf32>,
          %get3A_321 = vector.shape_cast %get3A_320 : vector<16xf32> to vector<16xf32>
          %add3A_322 = arith.constant 80 : i32
          %add3A_323 = arith.addi %mul3A_296, %add3A_322 : i32
          %get3A_324 = arith.index_cast %add3A_323 : i32 to index
          %get3A_325 = tpu.vector_load %arg4[%get3A_324] {strides = array<i32>} : memref<32768xf32, #tpu.memory_space<vmem>>, vector<16xf32>,
          %get3A_326 = vector.shape_cast %get3A_325 : vector<16xf32> to vector<16xf32>
          %add3A_327 = arith.constant 96 : i32
          %add3A_328 = arith.addi %mul3A_296, %add3A_327 : i32
          %get3A_329 = arith.index_cast %add3A_328 : i32 to index
          %get3A_330 = tpu.vector_load %arg4[%get3A_329] {strides = array<i32>} : memref<32768xf32, #tpu.memory_space<vmem>>, vector<16xf32>,
          %get3A_331 = vector.shape_cast %get3A_330 : vector<16xf32> to vector<16xf32>
          %add3A_332 = arith.constant 112 : i32
          %add3A_333 = arith.addi %mul3A_296, %add3A_332 : i32
          %get3A_334 = arith.index_cast %add3A_333 : i32 to index
          %get3A_335 = tpu.vector_load %arg4[%get3A_334] {strides = array<i32>} : memref<32768xf32, #tpu.memory_space<vmem>>, vector<16xf32>,
          %get3A_336 = vector.shape_cast %get3A_335 : vector<16xf32> to vector<16xf32>
          %max3A_337 = arith.maximumf %get3A_301, %get3A_306 : vector<16xf32>
          %max3A_338 = arith.maximumf %get3A_311, %get3A_316 : vector<16xf32>
          %max3A_339 = arith.maximumf %get3A_321, %get3A_326 : vector<16xf32>
          %max3A_340 = arith.maximumf %get3A_331, %get3A_336 : vector<16xf32>
          %max3A_341 = arith.maximumf %max3A_337, %max3A_338 : vector<16xf32>
          %max3A_342 = arith.maximumf %scan3A_288, %max3A_341 : vector<16xf32>
          %max3A_343 = arith.maximumf %max3A_339, %max3A_340 : vector<16xf32>
          %max3A_344 = arith.maximumf %scan3A_289, %max3A_343 : vector<16xf32>
          scf.yield %max3A_342, %max3A_344 : vector<16xf32>, vector<16xf32>
        }
        %scan3A_279 = arith.constant 16 : i32
        %max3A_280 = arith.maximumf %scan3A_278#0, %scan3A_278#1 : vector<16xf32>
        %mul3A_281 = arith.constant 16 : i32
        %mul3A_282 = arith.muli %scan3A_270, %mul3A_281 : i32
        %swap3A = arith.index_cast %mul3A_282 : i32 to index
        %swap3A_283 = tpu.vector_load %arg5[%swap3A] {strides = array<i32>} : memref<256xf32, #tpu.memory_space<vmem>>, vector<16xf32>,
        %swap3A_284 = vector.shape_cast %swap3A_283 : vector<16xf32> to vector<16xf32>
        %swap3A_285 = vector.shape_cast %max3A_280 : vector<16xf32> to vector<16xf32>
        tpu.vector_store %arg5[%swap3A], %swap3A_285 {strides = array<i32>} : memref<256xf32, #tpu.memory_space<vmem>>, vector<16xf32>,
        %scan3A_286 = arith.constant 0 : i32
        scf.yield %scan3A_286 : i32
      }
      %scan3A_20 = arith.constant 16 : i32
      %get3A = arith.constant 0 : index
      %get3A_21 = tpu.vector_load %arg5[%get3A] {strides = array<i32>} : memref<256xf32, #tpu.memory_space<vmem>>, vector<16xf32>,
      %get3A_22 = vector.shape_cast %get3A_21 : vector<16xf32> to vector<16xf32>
      %get3A_23 = arith.constant 16 : index
      %get3A_24 = tpu.vector_load %arg5[%get3A_23] {strides = array<i32>} : memref<256xf32, #tpu.memory_space<vmem>>, vector<16xf32>,
      %get3A_25 = vector.shape_cast %get3A_24 : vector<16xf32> to vector<16xf32>
      %max3A = arith.maximumf %get3A_22, %get3A_25 : vector<16xf32>
      %get3A_26 = arith.constant 32 : index
      %get3A_27 = tpu.vector_load %arg5[%get3A_26] {strides = array<i32>} : memref<256xf32, #tpu.memory_space<vmem>>, vector<16xf32>,
      %get3A_28 = vector.shape_cast %get3A_27 : vector<16xf32> to vector<16xf32>
      %max3A_29 = arith.maximumf %max3A, %get3A_28 : vector<16xf32>
      %get3A_30 = arith.constant 48 : index
      %get3A_31 = tpu.vector_load %arg5[%get3A_30] {strides = array<i32>} : memref<256xf32, #tpu.memory_space<vmem>>, vector<16xf32>,
      %get3A_32 = vector.shape_cast %get3A_31 : vector<16xf32> to vector<16xf32>
      %max3A_33 = arith.maximumf %max3A_29, %get3A_32 : vector<16xf32>
      %get3A_34 = arith.constant 64 : index
      %get3A_35 = tpu.vector_load %arg5[%get3A_34] {strides = array<i32>} : memref<256xf32, #tpu.memory_space<vmem>>, vector<16xf32>,
      %get3A_36 = vector.shape_cast %get3A_35 : vector<16xf32> to vector<16xf32>
      %max3A_37 = arith.maximumf %max3A_33, %get3A_36 : vector<16xf32>
      %get3A_38 = arith.constant 80 : index
      %get3A_39 = tpu.vector_load %arg5[%get3A_38] {strides = array<i32>} : memref<256xf32, #tpu.memory_space<vmem>>, vector<16xf32>,
      %get3A_40 = vector.shape_cast %get3A_39 : vector<16xf32> to vector<16xf32>
      %max3A_41 = arith.maximumf %max3A_37, %get3A_40 : vector<16xf32>
      %get3A_42 = arith.constant 96 : index
      %get3A_43 = tpu.vector_load %arg5[%get3A_42] {strides = array<i32>} : memref<256xf32, #tpu.memory_space<vmem>>, vector<16xf32>,
      %get3A_44 = vector.shape_cast %get3A_43 : vector<16xf32> to vector<16xf32>
      %max3A_45 = arith.maximumf %max3A_41, %get3A_44 : vector<16xf32>
      %get3A_46 = arith.constant 112 : index
      %get3A_47 = tpu.vector_load %arg5[%get3A_46] {strides = array<i32>} : memref<256xf32, #tpu.memory_space<vmem>>, vector<16xf32>,
      %get3A_48 = vector.shape_cast %get3A_47 : vector<16xf32> to vector<16xf32>
      %max3A_49 = arith.maximumf %max3A_45, %get3A_48 : vector<16xf32>
      %get3A_50 = arith.constant 128 : index
      %get3A_51 = tpu.vector_load %arg5[%get3A_50] {strides = array<i32>} : memref<256xf32, #tpu.memory_space<vmem>>, vector<16xf32>,
      %get3A_52 = vector.shape_cast %get3A_51 : vector<16xf32> to vector<16xf32>
      %max3A_53 = arith.maximumf %max3A_49, %get3A_52 : vector<16xf32>
      %get3A_54 = arith.constant 144 : index
      %get3A_55 = tpu.vector_load %arg5[%get3A_54] {strides = array<i32>} : memref<256xf32, #tpu.memory_space<vmem>>, vector<16xf32>,
      %get3A_56 = vector.shape_cast %get3A_55 : vector<16xf32> to vector<16xf32>
      %max3A_57 = arith.maximumf %max3A_53, %get3A_56 : vector<16xf32>
      %get3A_58 = arith.constant 160 : index
      %get3A_59 = tpu.vector_load %arg5[%get3A_58] {strides = array<i32>} : memref<256xf32, #tpu.memory_space<vmem>>, vector<16xf32>,
      %get3A_60 = vector.shape_cast %get3A_59 : vector<16xf32> to vector<16xf32>
      %max3A_61 = arith.maximumf %max3A_57, %get3A_60 : vector<16xf32>
      %get3A_62 = arith.constant 176 : index
      %get3A_63 = tpu.vector_load %arg5[%get3A_62] {strides = array<i32>} : memref<256xf32, #tpu.memory_space<vmem>>, vector<16xf32>,
      %get3A_64 = vector.shape_cast %get3A_63 : vector<16xf32> to vector<16xf32>
      %max3A_65 = arith.maximumf %max3A_61, %get3A_64 : vector<16xf32>
      %get3A_66 = arith.constant 192 : index
      %get3A_67 = tpu.vector_load %arg5[%get3A_66] {strides = array<i32>} : memref<256xf32, #tpu.memory_space<vmem>>, vector<16xf32>,
      %get3A_68 = vector.shape_cast %get3A_67 : vector<16xf32> to vector<16xf32>
      %max3A_69 = arith.maximumf %max3A_65, %get3A_68 : vector<16xf32>
      %get3A_70 = arith.constant 208 : index
      %get3A_71 = tpu.vector_load %arg5[%get3A_70] {strides = array<i32>} : memref<256xf32, #tpu.memory_space<vmem>>, vector<16xf32>,
      %get3A_72 = vector.shape_cast %get3A_71 : vector<16xf32> to vector<16xf32>
      %max3A_73 = arith.maximumf %max3A_69, %get3A_72 : vector<16xf32>
      %get3A_74 = arith.constant 224 : index
      %get3A_75 = tpu.vector_load %arg5[%get3A_74] {strides = array<i32>} : memref<256xf32, #tpu.memory_space<vmem>>, vector<16xf32>,
      %get3A_76 = vector.shape_cast %get3A_75 : vector<16xf32> to vector<16xf32>
      %max3A_77 = arith.maximumf %max3A_73, %get3A_76 : vector<16xf32>
      %get3A_78 = arith.constant 240 : index
      %get3A_79 = tpu.vector_load %arg5[%get3A_78] {strides = array<i32>} : memref<256xf32, #tpu.memory_space<vmem>>, vector<16xf32>,
      %get3A_80 = vector.shape_cast %get3A_79 : vector<16xf32> to vector<16xf32>
      %max3A_81 = arith.maximumf %max3A_77, %get3A_80 : vector<16xf32>
      %iota3A = tpu.iota {dimensions = array<i32: 0>} : vector<16xi32>
      %xor3A = arith.constant 1 : i32
      %xor3A_82 = vector.broadcast %xor3A : i32 to vector<16xi32>
      %xor3A_83 = arith.xori %iota3A, %xor3A_82 : vector<16xi32>
      %reshape3A = vector.shape_cast %xor3A_83 : vector<16xi32> to vector<16x1xi32>
      %gather3A = vector.shape_cast %reshape3A : vector<16x1xi32> to vector<16xi32>
      %gather3A_84 = tpu.dynamic_gather %max3A_81[%gather3A] in [0] : vector<16xf32>, vector<16xi32> -> vector<16xf32>
      %max3A_85 = arith.maximumf %max3A_81, %gather3A_84 : vector<16xf32>
      %xor3A_86 = arith.constant 2 : i32
      %xor3A_87 = vector.broadcast %xor3A_86 : i32 to vector<16xi32>
      %xor3A_88 = arith.xori %iota3A, %xor3A_87 : vector<16xi32>
      %reshape3A_89 = vector.shape_cast %xor3A_88 : vector<16xi32> to vector<16x1xi32>
      %gather3A_90 = vector.shape_cast %reshape3A_89 : vector<16x1xi32> to vector<16xi32>
      %gather3A_91 = tpu.dynamic_gather %max3A_85[%gather3A_90] in [0] : vector<16xf32>, vector<16xi32> -> vector<16xf32>
      %max3A_92 = arith.maximumf %max3A_85, %gather3A_91 : vector<16xf32>
      %xor3A_93 = arith.constant 4 : i32
      %xor3A_94 = vector.broadcast %xor3A_93 : i32 to vector<16xi32>
      %xor3A_95 = arith.xori %iota3A, %xor3A_94 : vector<16xi32>
      %reshape3A_96 = vector.shape_cast %xor3A_95 : vector<16xi32> to vector<16x1xi32>
      %gather3A_97 = vector.shape_cast %reshape3A_96 : vector<16x1xi32> to vector<16xi32>
      %gather3A_98 = tpu.dynamic_gather %max3A_92[%gather3A_97] in [0] : vector<16xf32>, vector<16xi32> -> vector<16xf32>
      %max3A_99 = arith.maximumf %max3A_92, %gather3A_98 : vector<16xf32>
      %xor3A_100 = arith.constant 8 : i32
      %xor3A_101 = vector.broadcast %xor3A_100 : i32 to vector<16xi32>
      %xor3A_102 = arith.xori %iota3A, %xor3A_101 : vector<16xi32>
      %reshape3A_103 = vector.shape_cast %xor3A_102 : vector<16xi32> to vector<16x1xi32>
      %gather3A_104 = vector.shape_cast %reshape3A_103 : vector<16x1xi32> to vector<16xi32>
      %gather3A_105 = tpu.dynamic_gather %max3A_99[%gather3A_104] in [0] : vector<16xf32>, vector<16xi32> -> vector<16xf32>
      %max3A_106 = arith.maximumf %max3A_99, %gather3A_105 : vector<16xf32>
      %bitcast_convert_type3A = tpu.bitcast %max3A_106 : vector<16xf32> -> vector<16xi32>
      %ge3A = arith.constant 0 : i32
      %ge3A_107 = vector.broadcast %ge3A : i32 to vector<16xi32>
      %ge3A_108 = arith.cmpi sge, %bitcast_convert_type3A, %ge3A_107 : vector<16xi32>
      %sub3A = arith.constant -2147483648 : i32
      %sub3A_109 = vector.broadcast %sub3A : i32 to vector<16xi32>
      %sub3A_110 = arith.subi %sub3A_109, %bitcast_convert_type3A : vector<16xi32>
      %select_n3A = arith.select %ge3A_108, %bitcast_convert_type3A, %sub3A_110 : vector<16xi1>, vector<16xi32>
      %broadcast_in_dim3A = arith.constant -2147483648 : i32
      %broadcast_in_dim3A_111 = vector.broadcast %broadcast_in_dim3A : i32 to vector<16xi32>
      %broadcast_in_dim3A_112 = arith.constant 65 : i32
      %broadcast_in_dim3A_113 = vector.broadcast %broadcast_in_dim3A_112 : i32 to vector<16xi32>
      %scan3A_114 = arith.constant 0 : i32
      %scan3A_115 = arith.constant 32 : i32
      %scan3A_116 = arith.addi %scan3A_114, %scan3A_115 : i32
      %scan3A_117 = arith.constant 1 : i32
      %scan3A_118:2 = scf.for %scan3A_270 = %scan3A_114 to %scan3A_116 step %scan3A_117 iter_args(%scan3A_271 = %broadcast_in_dim3A_111, %scan3A_272 = %select_n3A) -> (vector<16xi32>, vector<16xi32>)  : i32 {
        %shift_right_arithmetic3A = arith.constant 1 : i32
        %shift_right_arithmetic3A_273 = vector.broadcast %shift_right_arithmetic3A : i32 to vector<16xi32>
        %shift_right_arithmetic3A_274 = arith.shrsi %scan3A_271, %shift_right_arithmetic3A_273 : vector<16xi32>
        %shift_right_arithmetic3A_275 = arith.constant 1 : i32
        %shift_right_arithmetic3A_276 = vector.broadcast %shift_right_arithmetic3A_275 : i32 to vector<16xi32>
        %shift_right_arithmetic3A_277 = arith.shrsi %scan3A_272, %shift_right_arithmetic3A_276 : vector<16xi32>
        %add3A_278 = arith.addi %shift_right_arithmetic3A_274, %shift_right_arithmetic3A_277 : vector<16xi32>
        %and3A = arith.andi %scan3A_271, %scan3A_272 : vector<16xi32>
        %and3A_279 = arith.constant 1 : i32
        %and3A_280 = vector.broadcast %and3A_279 : i32 to vector<16xi32>
        %and3A_281 = arith.andi %and3A, %and3A_280 : vector<16xi32>
        %add3A_282 = arith.addi %add3A_278, %and3A_281 : vector<16xi32>
        %xor3A_283 = arith.xori %scan3A_271, %scan3A_272 : vector<16xi32>
        %and3A_284 = arith.constant 1 : i32
        %and3A_285 = vector.broadcast %and3A_284 : i32 to vector<16xi32>
        %and3A_286 = arith.andi %xor3A_283, %and3A_285 : vector<16xi32>
        %add3A_287 = arith.addi %add3A_282, %and3A_286 : vector<16xi32>
        %broadcast_in_dim3A_288 = arith.constant 0 : i32
        %broadcast_in_dim3A_289 = vector.broadcast %broadcast_in_dim3A_288 : i32 to vector<16xi32>
        %scan3A_290 = arith.constant 0 : i32
        %scan3A_291 = arith.constant 16 : i32
        %scan3A_292 = arith.addi %scan3A_290, %scan3A_291 : i32
        %scan3A_293 = arith.constant 1 : i32
        %scan3A_294 = scf.for %scan3A_331 = %scan3A_290 to %scan3A_292 step %scan3A_293 iter_args(%scan3A_332 = %broadcast_in_dim3A_289) -> (vector<16xi32>)  : i32 {
          %mul3A_333 = arith.constant 16 : i32
          %mul3A_334 = arith.muli %scan3A_331, %mul3A_333 : i32
          %get3A_335 = arith.index_cast %mul3A_334 : i32 to index
          %get3A_336 = tpu.vector_load %arg5[%get3A_335] {strides = array<i32>} : memref<256xf32, #tpu.memory_space<vmem>>, vector<16xf32>,
          %get3A_337 = vector.shape_cast %get3A_336 : vector<16xf32> to vector<16xf32>
          %bitcast_convert_type3A_338 = tpu.bitcast %get3A_337 : vector<16xf32> -> vector<16xi32>
          %ge3A_339 = arith.constant 0 : i32
          %ge3A_340 = vector.broadcast %ge3A_339 : i32 to vector<16xi32>
          %ge3A_341 = arith.cmpi sge, %bitcast_convert_type3A_338, %ge3A_340 : vector<16xi32>
          %sub3A_342 = arith.constant -2147483648 : i32
          %sub3A_343 = vector.broadcast %sub3A_342 : i32 to vector<16xi32>
          %sub3A_344 = arith.subi %sub3A_343, %bitcast_convert_type3A_338 : vector<16xi32>
          %select_n3A_345 = arith.select %ge3A_341, %bitcast_convert_type3A_338, %sub3A_344 : vector<16xi1>, vector<16xi32>
          %ge3A_346 = arith.cmpi sge, %select_n3A_345, %add3A_287 : vector<16xi32>
          %broadcast_in_dim3A_347 = arith.constant 1 : i32
          %broadcast_in_dim3A_348 = vector.broadcast %broadcast_in_dim3A_347 : i32 to vector<16xi32>
          %broadcast_in_dim3A_349 = arith.constant 0 : i32
          %broadcast_in_dim3A_350 = vector.broadcast %broadcast_in_dim3A_349 : i32 to vector<16xi32>
          %select_n3A_351 = arith.select %ge3A_346, %broadcast_in_dim3A_348, %broadcast_in_dim3A_350 : vector<16xi1>, vector<16xi32>
          %add3A_352 = arith.addi %scan3A_332, %select_n3A_351 : vector<16xi32>
          scf.yield %add3A_352 : vector<16xi32>
        }
        %scan3A_295 = arith.constant 16 : i32
        %iota3A_296 = tpu.iota {dimensions = array<i32: 0>} : vector<16xi32>
        %xor3A_297 = arith.constant 1 : i32
        %xor3A_298 = vector.broadcast %xor3A_297 : i32 to vector<16xi32>
        %xor3A_299 = arith.xori %iota3A_296, %xor3A_298 : vector<16xi32>
        %reshape3A_300 = vector.shape_cast %xor3A_299 : vector<16xi32> to vector<16x1xi32>
        %gather3A_301 = vector.shape_cast %reshape3A_300 : vector<16x1xi32> to vector<16xi32>
        %gather3A_302 = tpu.dynamic_gather %scan3A_294[%gather3A_301] in [0] : vector<16xi32>, vector<16xi32> -> vector<16xi32>
        %add3A_303 = arith.addi %scan3A_294, %gather3A_302 : vector<16xi32>
        %xor3A_304 = arith.constant 2 : i32
        %xor3A_305 = vector.broadcast %xor3A_304 : i32 to vector<16xi32>
        %xor3A_306 = arith.xori %iota3A_296, %xor3A_305 : vector<16xi32>
        %reshape3A_307 = vector.shape_cast %xor3A_306 : vector<16xi32> to vector<16x1xi32>
        %gather3A_308 = vector.shape_cast %reshape3A_307 : vector<16x1xi32> to vector<16xi32>
        %gather3A_309 = tpu.dynamic_gather %add3A_303[%gather3A_308] in [0] : vector<16xi32>, vector<16xi32> -> vector<16xi32>
        %add3A_310 = arith.addi %add3A_303, %gather3A_309 : vector<16xi32>
        %xor3A_311 = arith.constant 4 : i32
        %xor3A_312 = vector.broadcast %xor3A_311 : i32 to vector<16xi32>
        %xor3A_313 = arith.xori %iota3A_296, %xor3A_312 : vector<16xi32>
        %reshape3A_314 = vector.shape_cast %xor3A_313 : vector<16xi32> to vector<16x1xi32>
        %gather3A_315 = vector.shape_cast %reshape3A_314 : vector<16x1xi32> to vector<16xi32>
        %gather3A_316 = tpu.dynamic_gather %add3A_310[%gather3A_315] in [0] : vector<16xi32>, vector<16xi32> -> vector<16xi32>
        %add3A_317 = arith.addi %add3A_310, %gather3A_316 : vector<16xi32>
        %xor3A_318 = arith.constant 8 : i32
        %xor3A_319 = vector.broadcast %xor3A_318 : i32 to vector<16xi32>
        %xor3A_320 = arith.xori %iota3A_296, %xor3A_319 : vector<16xi32>
        %reshape3A_321 = vector.shape_cast %xor3A_320 : vector<16xi32> to vector<16x1xi32>
        %gather3A_322 = vector.shape_cast %reshape3A_321 : vector<16x1xi32> to vector<16xi32>
        %gather3A_323 = tpu.dynamic_gather %add3A_317[%gather3A_322] in [0] : vector<16xi32>, vector<16xi32> -> vector<16xi32>
        %add3A_324 = arith.addi %add3A_317, %gather3A_323 : vector<16xi32>
        %ge3A_325 = arith.cmpi sge, %add3A_324, %broadcast_in_dim3A_113 : vector<16xi32>
        %select_n3A_326 = arith.select %ge3A_325, %add3A_287, %scan3A_271 : vector<16xi1>, vector<16xi32>
        %sub3A_327 = arith.constant 1 : i32
        %sub3A_328 = vector.broadcast %sub3A_327 : i32 to vector<16xi32>
        %sub3A_329 = arith.subi %add3A_287, %sub3A_328 : vector<16xi32>
        %select_n3A_330 = arith.select %ge3A_325, %scan3A_272, %sub3A_329 : vector<16xi1>, vector<16xi32>
        scf.yield %select_n3A_326, %select_n3A_330 : vector<16xi32>, vector<16xi32>
      }
      %scan3A_119 = arith.constant 32 : i32
      %gt3A = arith.constant 0 : i32
      %gt3A_120 = vector.broadcast %gt3A : i32 to vector<16xi32>
      %gt3A_121 = arith.cmpi sgt, %scan3A_118#0, %gt3A_120 : vector<16xi32>
      %sub3A_122 = arith.constant -2147483648 : i32
      %sub3A_123 = vector.broadcast %sub3A_122 : i32 to vector<16xi32>
      %sub3A_124 = arith.subi %sub3A_123, %scan3A_118#0 : vector<16xi32>
      %select_n3A_125 = arith.select %gt3A_121, %scan3A_118#0, %sub3A_124 : vector<16xi1>, vector<16xi32>
      %bitcast_convert_type3A_126 = tpu.bitcast %select_n3A_125 : vector<16xi32> -> vector<16xf32>
      %scan3A_127 = arith.constant 0 : i32
      %scan3A_128 = arith.constant 0 : i32
      %scan3A_129 = arith.constant 256 : i32
      %scan3A_130 = arith.addi %scan3A_128, %scan3A_129 : i32
      %scan3A_131 = arith.constant 1 : i32
      %scan3A_132 = scf.for %scan3A_270 = %scan3A_128 to %scan3A_130 step %scan3A_131 iter_args(%scan3A_271 = %scan3A_127) -> (i32)  : i32 {
        %mul3A_272 = arith.constant 8 : i32
        %mul3A_273 = arith.muli %scan3A_270, %mul3A_272 : i32
        %mul3A_274 = arith.constant 16 : i32
        %mul3A_275 = arith.muli %mul3A_273, %mul3A_274 : i32
        %add3A_276 = arith.constant 0 : i32
        %add3A_277 = arith.addi %mul3A_275, %add3A_276 : i32
        %get3A_278 = arith.index_cast %add3A_277 : i32 to index
        %get3A_279 = tpu.vector_load %arg4[%get3A_278] {strides = array<i32>} : memref<32768xf32, #tpu.memory_space<vmem>>, vector<16xf32>,
        %get3A_280 = vector.shape_cast %get3A_279 : vector<16xf32> to vector<16xf32>
        %add3A_281 = arith.constant 16 : i32
        %add3A_282 = arith.addi %mul3A_275, %add3A_281 : i32
        %get3A_283 = arith.index_cast %add3A_282 : i32 to index
        %get3A_284 = tpu.vector_load %arg4[%get3A_283] {strides = array<i32>} : memref<32768xf32, #tpu.memory_space<vmem>>, vector<16xf32>,
        %get3A_285 = vector.shape_cast %get3A_284 : vector<16xf32> to vector<16xf32>
        %add3A_286 = arith.constant 32 : i32
        %add3A_287 = arith.addi %mul3A_275, %add3A_286 : i32
        %get3A_288 = arith.index_cast %add3A_287 : i32 to index
        %get3A_289 = tpu.vector_load %arg4[%get3A_288] {strides = array<i32>} : memref<32768xf32, #tpu.memory_space<vmem>>, vector<16xf32>,
        %get3A_290 = vector.shape_cast %get3A_289 : vector<16xf32> to vector<16xf32>
        %add3A_291 = arith.constant 48 : i32
        %add3A_292 = arith.addi %mul3A_275, %add3A_291 : i32
        %get3A_293 = arith.index_cast %add3A_292 : i32 to index
        %get3A_294 = tpu.vector_load %arg4[%get3A_293] {strides = array<i32>} : memref<32768xf32, #tpu.memory_space<vmem>>, vector<16xf32>,
        %get3A_295 = vector.shape_cast %get3A_294 : vector<16xf32> to vector<16xf32>
        %add3A_296 = arith.constant 64 : i32
        %add3A_297 = arith.addi %mul3A_275, %add3A_296 : i32
        %get3A_298 = arith.index_cast %add3A_297 : i32 to index
        %get3A_299 = tpu.vector_load %arg4[%get3A_298] {strides = array<i32>} : memref<32768xf32, #tpu.memory_space<vmem>>, vector<16xf32>,
        %get3A_300 = vector.shape_cast %get3A_299 : vector<16xf32> to vector<16xf32>
        %add3A_301 = arith.constant 80 : i32
        %add3A_302 = arith.addi %mul3A_275, %add3A_301 : i32
        %get3A_303 = arith.index_cast %add3A_302 : i32 to index
        %get3A_304 = tpu.vector_load %arg4[%get3A_303] {strides = array<i32>} : memref<32768xf32, #tpu.memory_space<vmem>>, vector<16xf32>,
        %get3A_305 = vector.shape_cast %get3A_304 : vector<16xf32> to vector<16xf32>
        %add3A_306 = arith.constant 96 : i32
        %add3A_307 = arith.addi %mul3A_275, %add3A_306 : i32
        %get3A_308 = arith.index_cast %add3A_307 : i32 to index
        %get3A_309 = tpu.vector_load %arg4[%get3A_308] {strides = array<i32>} : memref<32768xf32, #tpu.memory_space<vmem>>, vector<16xf32>,
        %get3A_310 = vector.shape_cast %get3A_309 : vector<16xf32> to vector<16xf32>
        %add3A_311 = arith.constant 112 : i32
        %add3A_312 = arith.addi %mul3A_275, %add3A_311 : i32
        %get3A_313 = arith.index_cast %add3A_312 : i32 to index
        %get3A_314 = tpu.vector_load %arg4[%get3A_313] {strides = array<i32>} : memref<32768xf32, #tpu.memory_space<vmem>>, vector<16xf32>,
        %get3A_315 = vector.shape_cast %get3A_314 : vector<16xf32> to vector<16xf32>
        %max3A_316 = arith.maximumf %get3A_280, %get3A_285 : vector<16xf32>
        %max3A_317 = arith.maximumf %get3A_290, %get3A_295 : vector<16xf32>
        %max3A_318 = arith.maximumf %get3A_300, %get3A_305 : vector<16xf32>
        %max3A_319 = arith.maximumf %get3A_310, %get3A_315 : vector<16xf32>
        %max3A_320 = arith.maximumf %max3A_316, %max3A_317 : vector<16xf32>
        %max3A_321 = arith.maximumf %max3A_318, %max3A_319 : vector<16xf32>
        %max3A_322 = arith.maximumf %max3A_320, %max3A_321 : vector<16xf32>
        %ge3A_323 = arith.cmpf oge, %max3A_322, %bitcast_convert_type3A_126 : vector<16xf32>
        %broadcast_in_dim3A_324 = arith.constant 1 : i32
        %broadcast_in_dim3A_325 = vector.broadcast %broadcast_in_dim3A_324 : i32 to vector<16xi32>
        %broadcast_in_dim3A_326 = arith.constant 0 : i32
        %broadcast_in_dim3A_327 = vector.broadcast %broadcast_in_dim3A_326 : i32 to vector<16xi32>
        %select_n3A_328 = arith.select %ge3A_323, %broadcast_in_dim3A_325, %broadcast_in_dim3A_327 : vector<16xi1>, vector<16xi32>
        %iota3A_329 = tpu.iota {dimensions = array<i32: 0>} : vector<16xi32>
        %xor3A_330 = arith.constant 1 : i32
        %xor3A_331 = vector.broadcast %xor3A_330 : i32 to vector<16xi32>
        %xor3A_332 = arith.xori %iota3A_329, %xor3A_331 : vector<16xi32>
        %reshape3A_333 = vector.shape_cast %xor3A_332 : vector<16xi32> to vector<16x1xi32>
        %gather3A_334 = vector.shape_cast %reshape3A_333 : vector<16x1xi32> to vector<16xi32>
        %gather3A_335 = tpu.dynamic_gather %select_n3A_328[%gather3A_334] in [0] : vector<16xi32>, vector<16xi32> -> vector<16xi32>
        %add3A_336 = arith.addi %select_n3A_328, %gather3A_335 : vector<16xi32>
        %xor3A_337 = arith.constant 2 : i32
        %xor3A_338 = vector.broadcast %xor3A_337 : i32 to vector<16xi32>
        %xor3A_339 = arith.xori %iota3A_329, %xor3A_338 : vector<16xi32>
        %reshape3A_340 = vector.shape_cast %xor3A_339 : vector<16xi32> to vector<16x1xi32>
        %gather3A_341 = vector.shape_cast %reshape3A_340 : vector<16x1xi32> to vector<16xi32>
        %gather3A_342 = tpu.dynamic_gather %add3A_336[%gather3A_341] in [0] : vector<16xi32>, vector<16xi32> -> vector<16xi32>
        %add3A_343 = arith.addi %add3A_336, %gather3A_342 : vector<16xi32>
        %xor3A_344 = arith.constant 4 : i32
        %xor3A_345 = vector.broadcast %xor3A_344 : i32 to vector<16xi32>
        %xor3A_346 = arith.xori %iota3A_329, %xor3A_345 : vector<16xi32>
        %reshape3A_347 = vector.shape_cast %xor3A_346 : vector<16xi32> to vector<16x1xi32>
        %gather3A_348 = vector.shape_cast %reshape3A_347 : vector<16x1xi32> to vector<16xi32>
        %gather3A_349 = tpu.dynamic_gather %add3A_343[%gather3A_348] in [0] : vector<16xi32>, vector<16xi32> -> vector<16xi32>
        %add3A_350 = arith.addi %add3A_343, %gather3A_349 : vector<16xi32>
        %xor3A_351 = arith.constant 8 : i32
        %xor3A_352 = vector.broadcast %xor3A_351 : i32 to vector<16xi32>
        %xor3A_353 = arith.xori %iota3A_329, %xor3A_352 : vector<16xi32>
        %reshape3A_354 = vector.shape_cast %xor3A_353 : vector<16xi32> to vector<16x1xi32>
        %gather3A_355 = vector.shape_cast %reshape3A_354 : vector<16x1xi32> to vector<16xi32>
        %gather3A_356 = tpu.dynamic_gather %add3A_350[%gather3A_355] in [0] : vector<16xi32>, vector<16xi32> -> vector<16xi32>
        %add3A_357 = arith.addi %add3A_350, %gather3A_356 : vector<16xi32>
        %slice3A_358 = vector.extract_strided_slice %add3A_357 {offsets = [0], sizes = [1], strides = [1]} : vector<16xi32> to vector<1xi32>
        %squeeze3A_359 = vector.extract %slice3A_358[0] : i32 from vector<1xi32>
        %gt3A_360 = arith.constant 0 : i32
        %gt3A_361 = arith.cmpi sgt, %squeeze3A_359, %gt3A_360 : i32
        %convert_element_type3A = arith.extui %gt3A_361 : i1 to i32
        %cond3A = arith.constant 0 : i32
        %cond3A_362 = arith.cmpi ne, %convert_element_type3A, %cond3A : i32
        %cond3A_363 = scf.if %cond3A_362 -> (i32) {
          %add3A_364 = arith.constant 0 : i32
          %add3A_365 = arith.addi %mul3A_275, %add3A_364 : i32
          %get3A_366 = arith.index_cast %add3A_365 : i32 to index
          %get3A_367 = tpu.vector_load %arg4[%get3A_366] {strides = array<i32>} : memref<32768xf32, #tpu.memory_space<vmem>>, vector<16xf32>,
          %get3A_368 = vector.shape_cast %get3A_367 : vector<16xf32> to vector<16xf32>
          %ge3A_369 = arith.cmpf oge, %get3A_368, %bitcast_convert_type3A_126 : vector<16xf32>
          %broadcast_in_dim3A_370 = arith.constant 0xFF800000 : f32
          %broadcast_in_dim3A_371 = vector.broadcast %broadcast_in_dim3A_370 : f32 to vector<16xf32>
          %select_n3A_372 = arith.select %ge3A_369, %get3A_368, %broadcast_in_dim3A_371 : vector<16xi1>, vector<16xf32>
          %mul3A_373 = arith.constant 16 : i32
          %mul3A_374 = arith.muli %scan3A_271, %mul3A_373 : i32
          %swap3A = arith.index_cast %mul3A_374 : i32 to index
          %swap3A_375 = tpu.vector_load %arg6[%swap3A] {strides = array<i32>} : memref<32768xf32, #tpu.memory_space<vmem>>, vector<16xf32>,
          %swap3A_376 = vector.shape_cast %swap3A_375 : vector<16xf32> to vector<16xf32>
          %swap3A_377 = vector.shape_cast %select_n3A_372 : vector<16xf32> to vector<16xf32>
          tpu.vector_store %arg6[%swap3A], %swap3A_377 {strides = array<i32>} : memref<32768xf32, #tpu.memory_space<vmem>>, vector<16xf32>,
          %broadcast_in_dim3A_378 = arith.constant 1 : i32
          %broadcast_in_dim3A_379 = vector.broadcast %broadcast_in_dim3A_378 : i32 to vector<16xi32>
          %broadcast_in_dim3A_380 = arith.constant 0 : i32
          %broadcast_in_dim3A_381 = vector.broadcast %broadcast_in_dim3A_380 : i32 to vector<16xi32>
          %select_n3A_382 = arith.select %ge3A_369, %broadcast_in_dim3A_379, %broadcast_in_dim3A_381 : vector<16xi1>, vector<16xi32>
          %iota3A_383 = tpu.iota {dimensions = array<i32: 0>} : vector<16xi32>
          %xor3A_384 = arith.constant 1 : i32
          %xor3A_385 = vector.broadcast %xor3A_384 : i32 to vector<16xi32>
          %xor3A_386 = arith.xori %iota3A_383, %xor3A_385 : vector<16xi32>
          %reshape3A_387 = vector.shape_cast %xor3A_386 : vector<16xi32> to vector<16x1xi32>
          %gather3A_388 = vector.shape_cast %reshape3A_387 : vector<16x1xi32> to vector<16xi32>
          %gather3A_389 = tpu.dynamic_gather %select_n3A_382[%gather3A_388] in [0] : vector<16xi32>, vector<16xi32> -> vector<16xi32>
          %add3A_390 = arith.addi %select_n3A_382, %gather3A_389 : vector<16xi32>
          %xor3A_391 = arith.constant 2 : i32
          %xor3A_392 = vector.broadcast %xor3A_391 : i32 to vector<16xi32>
          %xor3A_393 = arith.xori %iota3A_383, %xor3A_392 : vector<16xi32>
          %reshape3A_394 = vector.shape_cast %xor3A_393 : vector<16xi32> to vector<16x1xi32>
          %gather3A_395 = vector.shape_cast %reshape3A_394 : vector<16x1xi32> to vector<16xi32>
          %gather3A_396 = tpu.dynamic_gather %add3A_390[%gather3A_395] in [0] : vector<16xi32>, vector<16xi32> -> vector<16xi32>
          %add3A_397 = arith.addi %add3A_390, %gather3A_396 : vector<16xi32>
          %xor3A_398 = arith.constant 4 : i32
          %xor3A_399 = vector.broadcast %xor3A_398 : i32 to vector<16xi32>
          %xor3A_400 = arith.xori %iota3A_383, %xor3A_399 : vector<16xi32>
          %reshape3A_401 = vector.shape_cast %xor3A_400 : vector<16xi32> to vector<16x1xi32>
          %gather3A_402 = vector.shape_cast %reshape3A_401 : vector<16x1xi32> to vector<16xi32>
          %gather3A_403 = tpu.dynamic_gather %add3A_397[%gather3A_402] in [0] : vector<16xi32>, vector<16xi32> -> vector<16xi32>
          %add3A_404 = arith.addi %add3A_397, %gather3A_403 : vector<16xi32>
          %xor3A_405 = arith.constant 8 : i32
          %xor3A_406 = vector.broadcast %xor3A_405 : i32 to vector<16xi32>
          %xor3A_407 = arith.xori %iota3A_383, %xor3A_406 : vector<16xi32>
          %reshape3A_408 = vector.shape_cast %xor3A_407 : vector<16xi32> to vector<16x1xi32>
          %gather3A_409 = vector.shape_cast %reshape3A_408 : vector<16x1xi32> to vector<16xi32>
          %gather3A_410 = tpu.dynamic_gather %add3A_404[%gather3A_409] in [0] : vector<16xi32>, vector<16xi32> -> vector<16xi32>
          %add3A_411 = arith.addi %add3A_404, %gather3A_410 : vector<16xi32>
          %slice3A_412 = vector.extract_strided_slice %add3A_411 {offsets = [0], sizes = [1], strides = [1]} : vector<16xi32> to vector<1xi32>
          %squeeze3A_413 = vector.extract %slice3A_412[0] : i32 from vector<1xi32>
          %gt3A_414 = arith.constant 0 : i32
          %gt3A_415 = arith.cmpi sgt, %squeeze3A_413, %gt3A_414 : i32
          %jit3A_416 = arith.constant 1 : i32
          %jit3A_417 = arith.constant 0 : i32
          %select_n3A_418 = arith.select %gt3A_415, %jit3A_416, %jit3A_417 : i32
          %add3A_419 = arith.addi %scan3A_271, %select_n3A_418 : i32
          %add3A_420 = arith.constant 16 : i32
          %add3A_421 = arith.addi %mul3A_275, %add3A_420 : i32
          %get3A_422 = arith.index_cast %add3A_421 : i32 to index
          %get3A_423 = tpu.vector_load %arg4[%get3A_422] {strides = array<i32>} : memref<32768xf32, #tpu.memory_space<vmem>>, vector<16xf32>,
          %get3A_424 = vector.shape_cast %get3A_423 : vector<16xf32> to vector<16xf32>
          %ge3A_425 = arith.cmpf oge, %get3A_424, %bitcast_convert_type3A_126 : vector<16xf32>
          %broadcast_in_dim3A_426 = arith.constant 0xFF800000 : f32
          %broadcast_in_dim3A_427 = vector.broadcast %broadcast_in_dim3A_426 : f32 to vector<16xf32>
          %select_n3A_428 = arith.select %ge3A_425, %get3A_424, %broadcast_in_dim3A_427 : vector<16xi1>, vector<16xf32>
          %mul3A_429 = arith.constant 16 : i32
          %mul3A_430 = arith.muli %add3A_419, %mul3A_429 : i32
          %swap3A_431 = arith.index_cast %mul3A_430 : i32 to index
          %swap3A_432 = tpu.vector_load %arg6[%swap3A_431] {strides = array<i32>} : memref<32768xf32, #tpu.memory_space<vmem>>, vector<16xf32>,
          %swap3A_433 = vector.shape_cast %swap3A_432 : vector<16xf32> to vector<16xf32>
          %swap3A_434 = vector.shape_cast %select_n3A_428 : vector<16xf32> to vector<16xf32>
          tpu.vector_store %arg6[%swap3A_431], %swap3A_434 {strides = array<i32>} : memref<32768xf32, #tpu.memory_space<vmem>>, vector<16xf32>,
          %broadcast_in_dim3A_435 = arith.constant 1 : i32
          %broadcast_in_dim3A_436 = vector.broadcast %broadcast_in_dim3A_435 : i32 to vector<16xi32>
          %broadcast_in_dim3A_437 = arith.constant 0 : i32
          %broadcast_in_dim3A_438 = vector.broadcast %broadcast_in_dim3A_437 : i32 to vector<16xi32>
          %select_n3A_439 = arith.select %ge3A_425, %broadcast_in_dim3A_436, %broadcast_in_dim3A_438 : vector<16xi1>, vector<16xi32>
          %iota3A_440 = tpu.iota {dimensions = array<i32: 0>} : vector<16xi32>
          %xor3A_441 = arith.constant 1 : i32
          %xor3A_442 = vector.broadcast %xor3A_441 : i32 to vector<16xi32>
          %xor3A_443 = arith.xori %iota3A_440, %xor3A_442 : vector<16xi32>
          %reshape3A_444 = vector.shape_cast %xor3A_443 : vector<16xi32> to vector<16x1xi32>
          %gather3A_445 = vector.shape_cast %reshape3A_444 : vector<16x1xi32> to vector<16xi32>
          %gather3A_446 = tpu.dynamic_gather %select_n3A_439[%gather3A_445] in [0] : vector<16xi32>, vector<16xi32> -> vector<16xi32>
          %add3A_447 = arith.addi %select_n3A_439, %gather3A_446 : vector<16xi32>
          %xor3A_448 = arith.constant 2 : i32
          %xor3A_449 = vector.broadcast %xor3A_448 : i32 to vector<16xi32>
          %xor3A_450 = arith.xori %iota3A_440, %xor3A_449 : vector<16xi32>
          %reshape3A_451 = vector.shape_cast %xor3A_450 : vector<16xi32> to vector<16x1xi32>
          %gather3A_452 = vector.shape_cast %reshape3A_451 : vector<16x1xi32> to vector<16xi32>
          %gather3A_453 = tpu.dynamic_gather %add3A_447[%gather3A_452] in [0] : vector<16xi32>, vector<16xi32> -> vector<16xi32>
          %add3A_454 = arith.addi %add3A_447, %gather3A_453 : vector<16xi32>
          %xor3A_455 = arith.constant 4 : i32
          %xor3A_456 = vector.broadcast %xor3A_455 : i32 to vector<16xi32>
          %xor3A_457 = arith.xori %iota3A_440, %xor3A_456 : vector<16xi32>
          %reshape3A_458 = vector.shape_cast %xor3A_457 : vector<16xi32> to vector<16x1xi32>
          %gather3A_459 = vector.shape_cast %reshape3A_458 : vector<16x1xi32> to vector<16xi32>
          %gather3A_460 = tpu.dynamic_gather %add3A_454[%gather3A_459] in [0] : vector<16xi32>, vector<16xi32> -> vector<16xi32>
          %add3A_461 = arith.addi %add3A_454, %gather3A_460 : vector<16xi32>
          %xor3A_462 = arith.constant 8 : i32
          %xor3A_463 = vector.broadcast %xor3A_462 : i32 to vector<16xi32>
          %xor3A_464 = arith.xori %iota3A_440, %xor3A_463 : vector<16xi32>
          %reshape3A_465 = vector.shape_cast %xor3A_464 : vector<16xi32> to vector<16x1xi32>
          %gather3A_466 = vector.shape_cast %reshape3A_465 : vector<16x1xi32> to vector<16xi32>
          %gather3A_467 = tpu.dynamic_gather %add3A_461[%gather3A_466] in [0] : vector<16xi32>, vector<16xi32> -> vector<16xi32>
          %add3A_468 = arith.addi %add3A_461, %gather3A_467 : vector<16xi32>
          %slice3A_469 = vector.extract_strided_slice %add3A_468 {offsets = [0], sizes = [1], strides = [1]} : vector<16xi32> to vector<1xi32>
          %squeeze3A_470 = vector.extract %slice3A_469[0] : i32 from vector<1xi32>
          %gt3A_471 = arith.constant 0 : i32
          %gt3A_472 = arith.cmpi sgt, %squeeze3A_470, %gt3A_471 : i32
          %jit3A_473 = arith.constant 1 : i32
          %jit3A_474 = arith.constant 0 : i32
          %select_n3A_475 = arith.select %gt3A_472, %jit3A_473, %jit3A_474 : i32
          %add3A_476 = arith.addi %add3A_419, %select_n3A_475 : i32
          %add3A_477 = arith.constant 32 : i32
          %add3A_478 = arith.addi %mul3A_275, %add3A_477 : i32
          %get3A_479 = arith.index_cast %add3A_478 : i32 to index
          %get3A_480 = tpu.vector_load %arg4[%get3A_479] {strides = array<i32>} : memref<32768xf32, #tpu.memory_space<vmem>>, vector<16xf32>,
          %get3A_481 = vector.shape_cast %get3A_480 : vector<16xf32> to vector<16xf32>
          %ge3A_482 = arith.cmpf oge, %get3A_481, %bitcast_convert_type3A_126 : vector<16xf32>
          %broadcast_in_dim3A_483 = arith.constant 0xFF800000 : f32
          %broadcast_in_dim3A_484 = vector.broadcast %broadcast_in_dim3A_483 : f32 to vector<16xf32>
          %select_n3A_485 = arith.select %ge3A_482, %get3A_481, %broadcast_in_dim3A_484 : vector<16xi1>, vector<16xf32>
          %mul3A_486 = arith.constant 16 : i32
          %mul3A_487 = arith.muli %add3A_476, %mul3A_486 : i32
          %swap3A_488 = arith.index_cast %mul3A_487 : i32 to index
          %swap3A_489 = tpu.vector_load %arg6[%swap3A_488] {strides = array<i32>} : memref<32768xf32, #tpu.memory_space<vmem>>, vector<16xf32>,
          %swap3A_490 = vector.shape_cast %swap3A_489 : vector<16xf32> to vector<16xf32>
          %swap3A_491 = vector.shape_cast %select_n3A_485 : vector<16xf32> to vector<16xf32>
          tpu.vector_store %arg6[%swap3A_488], %swap3A_491 {strides = array<i32>} : memref<32768xf32, #tpu.memory_space<vmem>>, vector<16xf32>,
          %broadcast_in_dim3A_492 = arith.constant 1 : i32
          %broadcast_in_dim3A_493 = vector.broadcast %broadcast_in_dim3A_492 : i32 to vector<16xi32>
          %broadcast_in_dim3A_494 = arith.constant 0 : i32
          %broadcast_in_dim3A_495 = vector.broadcast %broadcast_in_dim3A_494 : i32 to vector<16xi32>
          %select_n3A_496 = arith.select %ge3A_482, %broadcast_in_dim3A_493, %broadcast_in_dim3A_495 : vector<16xi1>, vector<16xi32>
          %iota3A_497 = tpu.iota {dimensions = array<i32: 0>} : vector<16xi32>
          %xor3A_498 = arith.constant 1 : i32
          %xor3A_499 = vector.broadcast %xor3A_498 : i32 to vector<16xi32>
          %xor3A_500 = arith.xori %iota3A_497, %xor3A_499 : vector<16xi32>
          %reshape3A_501 = vector.shape_cast %xor3A_500 : vector<16xi32> to vector<16x1xi32>
          %gather3A_502 = vector.shape_cast %reshape3A_501 : vector<16x1xi32> to vector<16xi32>
          %gather3A_503 = tpu.dynamic_gather %select_n3A_496[%gather3A_502] in [0] : vector<16xi32>, vector<16xi32> -> vector<16xi32>
          %add3A_504 = arith.addi %select_n3A_496, %gather3A_503 : vector<16xi32>
          %xor3A_505 = arith.constant 2 : i32
          %xor3A_506 = vector.broadcast %xor3A_505 : i32 to vector<16xi32>
          %xor3A_507 = arith.xori %iota3A_497, %xor3A_506 : vector<16xi32>
          %reshape3A_508 = vector.shape_cast %xor3A_507 : vector<16xi32> to vector<16x1xi32>
          %gather3A_509 = vector.shape_cast %reshape3A_508 : vector<16x1xi32> to vector<16xi32>
          %gather3A_510 = tpu.dynamic_gather %add3A_504[%gather3A_509] in [0] : vector<16xi32>, vector<16xi32> -> vector<16xi32>
          %add3A_511 = arith.addi %add3A_504, %gather3A_510 : vector<16xi32>
          %xor3A_512 = arith.constant 4 : i32
          %xor3A_513 = vector.broadcast %xor3A_512 : i32 to vector<16xi32>
          %xor3A_514 = arith.xori %iota3A_497, %xor3A_513 : vector<16xi32>
          %reshape3A_515 = vector.shape_cast %xor3A_514 : vector<16xi32> to vector<16x1xi32>
          %gather3A_516 = vector.shape_cast %reshape3A_515 : vector<16x1xi32> to vector<16xi32>
          %gather3A_517 = tpu.dynamic_gather %add3A_511[%gather3A_516] in [0] : vector<16xi32>, vector<16xi32> -> vector<16xi32>
          %add3A_518 = arith.addi %add3A_511, %gather3A_517 : vector<16xi32>
          %xor3A_519 = arith.constant 8 : i32
          %xor3A_520 = vector.broadcast %xor3A_519 : i32 to vector<16xi32>
          %xor3A_521 = arith.xori %iota3A_497, %xor3A_520 : vector<16xi32>
          %reshape3A_522 = vector.shape_cast %xor3A_521 : vector<16xi32> to vector<16x1xi32>
          %gather3A_523 = vector.shape_cast %reshape3A_522 : vector<16x1xi32> to vector<16xi32>
          %gather3A_524 = tpu.dynamic_gather %add3A_518[%gather3A_523] in [0] : vector<16xi32>, vector<16xi32> -> vector<16xi32>
          %add3A_525 = arith.addi %add3A_518, %gather3A_524 : vector<16xi32>
          %slice3A_526 = vector.extract_strided_slice %add3A_525 {offsets = [0], sizes = [1], strides = [1]} : vector<16xi32> to vector<1xi32>
          %squeeze3A_527 = vector.extract %slice3A_526[0] : i32 from vector<1xi32>
          %gt3A_528 = arith.constant 0 : i32
          %gt3A_529 = arith.cmpi sgt, %squeeze3A_527, %gt3A_528 : i32
          %jit3A_530 = arith.constant 1 : i32
          %jit3A_531 = arith.constant 0 : i32
          %select_n3A_532 = arith.select %gt3A_529, %jit3A_530, %jit3A_531 : i32
          %add3A_533 = arith.addi %add3A_476, %select_n3A_532 : i32
          %add3A_534 = arith.constant 48 : i32
          %add3A_535 = arith.addi %mul3A_275, %add3A_534 : i32
          %get3A_536 = arith.index_cast %add3A_535 : i32 to index
          %get3A_537 = tpu.vector_load %arg4[%get3A_536] {strides = array<i32>} : memref<32768xf32, #tpu.memory_space<vmem>>, vector<16xf32>,
          %get3A_538 = vector.shape_cast %get3A_537 : vector<16xf32> to vector<16xf32>
          %ge3A_539 = arith.cmpf oge, %get3A_538, %bitcast_convert_type3A_126 : vector<16xf32>
          %broadcast_in_dim3A_540 = arith.constant 0xFF800000 : f32
          %broadcast_in_dim3A_541 = vector.broadcast %broadcast_in_dim3A_540 : f32 to vector<16xf32>
          %select_n3A_542 = arith.select %ge3A_539, %get3A_538, %broadcast_in_dim3A_541 : vector<16xi1>, vector<16xf32>
          %mul3A_543 = arith.constant 16 : i32
          %mul3A_544 = arith.muli %add3A_533, %mul3A_543 : i32
          %swap3A_545 = arith.index_cast %mul3A_544 : i32 to index
          %swap3A_546 = tpu.vector_load %arg6[%swap3A_545] {strides = array<i32>} : memref<32768xf32, #tpu.memory_space<vmem>>, vector<16xf32>,
          %swap3A_547 = vector.shape_cast %swap3A_546 : vector<16xf32> to vector<16xf32>
          %swap3A_548 = vector.shape_cast %select_n3A_542 : vector<16xf32> to vector<16xf32>
          tpu.vector_store %arg6[%swap3A_545], %swap3A_548 {strides = array<i32>} : memref<32768xf32, #tpu.memory_space<vmem>>, vector<16xf32>,
          %broadcast_in_dim3A_549 = arith.constant 1 : i32
          %broadcast_in_dim3A_550 = vector.broadcast %broadcast_in_dim3A_549 : i32 to vector<16xi32>
          %broadcast_in_dim3A_551 = arith.constant 0 : i32
          %broadcast_in_dim3A_552 = vector.broadcast %broadcast_in_dim3A_551 : i32 to vector<16xi32>
          %select_n3A_553 = arith.select %ge3A_539, %broadcast_in_dim3A_550, %broadcast_in_dim3A_552 : vector<16xi1>, vector<16xi32>
          %iota3A_554 = tpu.iota {dimensions = array<i32: 0>} : vector<16xi32>
          %xor3A_555 = arith.constant 1 : i32
          %xor3A_556 = vector.broadcast %xor3A_555 : i32 to vector<16xi32>
          %xor3A_557 = arith.xori %iota3A_554, %xor3A_556 : vector<16xi32>
          %reshape3A_558 = vector.shape_cast %xor3A_557 : vector<16xi32> to vector<16x1xi32>
          %gather3A_559 = vector.shape_cast %reshape3A_558 : vector<16x1xi32> to vector<16xi32>
          %gather3A_560 = tpu.dynamic_gather %select_n3A_553[%gather3A_559] in [0] : vector<16xi32>, vector<16xi32> -> vector<16xi32>
          %add3A_561 = arith.addi %select_n3A_553, %gather3A_560 : vector<16xi32>
          %xor3A_562 = arith.constant 2 : i32
          %xor3A_563 = vector.broadcast %xor3A_562 : i32 to vector<16xi32>
          %xor3A_564 = arith.xori %iota3A_554, %xor3A_563 : vector<16xi32>
          %reshape3A_565 = vector.shape_cast %xor3A_564 : vector<16xi32> to vector<16x1xi32>
          %gather3A_566 = vector.shape_cast %reshape3A_565 : vector<16x1xi32> to vector<16xi32>
          %gather3A_567 = tpu.dynamic_gather %add3A_561[%gather3A_566] in [0] : vector<16xi32>, vector<16xi32> -> vector<16xi32>
          %add3A_568 = arith.addi %add3A_561, %gather3A_567 : vector<16xi32>
          %xor3A_569 = arith.constant 4 : i32
          %xor3A_570 = vector.broadcast %xor3A_569 : i32 to vector<16xi32>
          %xor3A_571 = arith.xori %iota3A_554, %xor3A_570 : vector<16xi32>
          %reshape3A_572 = vector.shape_cast %xor3A_571 : vector<16xi32> to vector<16x1xi32>
          %gather3A_573 = vector.shape_cast %reshape3A_572 : vector<16x1xi32> to vector<16xi32>
          %gather3A_574 = tpu.dynamic_gather %add3A_568[%gather3A_573] in [0] : vector<16xi32>, vector<16xi32> -> vector<16xi32>
          %add3A_575 = arith.addi %add3A_568, %gather3A_574 : vector<16xi32>
          %xor3A_576 = arith.constant 8 : i32
          %xor3A_577 = vector.broadcast %xor3A_576 : i32 to vector<16xi32>
          %xor3A_578 = arith.xori %iota3A_554, %xor3A_577 : vector<16xi32>
          %reshape3A_579 = vector.shape_cast %xor3A_578 : vector<16xi32> to vector<16x1xi32>
          %gather3A_580 = vector.shape_cast %reshape3A_579 : vector<16x1xi32> to vector<16xi32>
          %gather3A_581 = tpu.dynamic_gather %add3A_575[%gather3A_580] in [0] : vector<16xi32>, vector<16xi32> -> vector<16xi32>
          %add3A_582 = arith.addi %add3A_575, %gather3A_581 : vector<16xi32>
          %slice3A_583 = vector.extract_strided_slice %add3A_582 {offsets = [0], sizes = [1], strides = [1]} : vector<16xi32> to vector<1xi32>
          %squeeze3A_584 = vector.extract %slice3A_583[0] : i32 from vector<1xi32>
          %gt3A_585 = arith.constant 0 : i32
          %gt3A_586 = arith.cmpi sgt, %squeeze3A_584, %gt3A_585 : i32
          %jit3A_587 = arith.constant 1 : i32
          %jit3A_588 = arith.constant 0 : i32
          %select_n3A_589 = arith.select %gt3A_586, %jit3A_587, %jit3A_588 : i32
          %add3A_590 = arith.addi %add3A_533, %select_n3A_589 : i32
          %add3A_591 = arith.constant 64 : i32
          %add3A_592 = arith.addi %mul3A_275, %add3A_591 : i32
          %get3A_593 = arith.index_cast %add3A_592 : i32 to index
          %get3A_594 = tpu.vector_load %arg4[%get3A_593] {strides = array<i32>} : memref<32768xf32, #tpu.memory_space<vmem>>, vector<16xf32>,
          %get3A_595 = vector.shape_cast %get3A_594 : vector<16xf32> to vector<16xf32>
          %ge3A_596 = arith.cmpf oge, %get3A_595, %bitcast_convert_type3A_126 : vector<16xf32>
          %broadcast_in_dim3A_597 = arith.constant 0xFF800000 : f32
          %broadcast_in_dim3A_598 = vector.broadcast %broadcast_in_dim3A_597 : f32 to vector<16xf32>
          %select_n3A_599 = arith.select %ge3A_596, %get3A_595, %broadcast_in_dim3A_598 : vector<16xi1>, vector<16xf32>
          %mul3A_600 = arith.constant 16 : i32
          %mul3A_601 = arith.muli %add3A_590, %mul3A_600 : i32
          %swap3A_602 = arith.index_cast %mul3A_601 : i32 to index
          %swap3A_603 = tpu.vector_load %arg6[%swap3A_602] {strides = array<i32>} : memref<32768xf32, #tpu.memory_space<vmem>>, vector<16xf32>,
          %swap3A_604 = vector.shape_cast %swap3A_603 : vector<16xf32> to vector<16xf32>
          %swap3A_605 = vector.shape_cast %select_n3A_599 : vector<16xf32> to vector<16xf32>
          tpu.vector_store %arg6[%swap3A_602], %swap3A_605 {strides = array<i32>} : memref<32768xf32, #tpu.memory_space<vmem>>, vector<16xf32>,
          %broadcast_in_dim3A_606 = arith.constant 1 : i32
          %broadcast_in_dim3A_607 = vector.broadcast %broadcast_in_dim3A_606 : i32 to vector<16xi32>
          %broadcast_in_dim3A_608 = arith.constant 0 : i32
          %broadcast_in_dim3A_609 = vector.broadcast %broadcast_in_dim3A_608 : i32 to vector<16xi32>
          %select_n3A_610 = arith.select %ge3A_596, %broadcast_in_dim3A_607, %broadcast_in_dim3A_609 : vector<16xi1>, vector<16xi32>
          %iota3A_611 = tpu.iota {dimensions = array<i32: 0>} : vector<16xi32>
          %xor3A_612 = arith.constant 1 : i32
          %xor3A_613 = vector.broadcast %xor3A_612 : i32 to vector<16xi32>
          %xor3A_614 = arith.xori %iota3A_611, %xor3A_613 : vector<16xi32>
          %reshape3A_615 = vector.shape_cast %xor3A_614 : vector<16xi32> to vector<16x1xi32>
          %gather3A_616 = vector.shape_cast %reshape3A_615 : vector<16x1xi32> to vector<16xi32>
          %gather3A_617 = tpu.dynamic_gather %select_n3A_610[%gather3A_616] in [0] : vector<16xi32>, vector<16xi32> -> vector<16xi32>
          %add3A_618 = arith.addi %select_n3A_610, %gather3A_617 : vector<16xi32>
          %xor3A_619 = arith.constant 2 : i32
          %xor3A_620 = vector.broadcast %xor3A_619 : i32 to vector<16xi32>
          %xor3A_621 = arith.xori %iota3A_611, %xor3A_620 : vector<16xi32>
          %reshape3A_622 = vector.shape_cast %xor3A_621 : vector<16xi32> to vector<16x1xi32>
          %gather3A_623 = vector.shape_cast %reshape3A_622 : vector<16x1xi32> to vector<16xi32>
          %gather3A_624 = tpu.dynamic_gather %add3A_618[%gather3A_623] in [0] : vector<16xi32>, vector<16xi32> -> vector<16xi32>
          %add3A_625 = arith.addi %add3A_618, %gather3A_624 : vector<16xi32>
          %xor3A_626 = arith.constant 4 : i32
          %xor3A_627 = vector.broadcast %xor3A_626 : i32 to vector<16xi32>
          %xor3A_628 = arith.xori %iota3A_611, %xor3A_627 : vector<16xi32>
          %reshape3A_629 = vector.shape_cast %xor3A_628 : vector<16xi32> to vector<16x1xi32>
          %gather3A_630 = vector.shape_cast %reshape3A_629 : vector<16x1xi32> to vector<16xi32>
          %gather3A_631 = tpu.dynamic_gather %add3A_625[%gather3A_630] in [0] : vector<16xi32>, vector<16xi32> -> vector<16xi32>
          %add3A_632 = arith.addi %add3A_625, %gather3A_631 : vector<16xi32>
          %xor3A_633 = arith.constant 8 : i32
          %xor3A_634 = vector.broadcast %xor3A_633 : i32 to vector<16xi32>
          %xor3A_635 = arith.xori %iota3A_611, %xor3A_634 : vector<16xi32>
          %reshape3A_636 = vector.shape_cast %xor3A_635 : vector<16xi32> to vector<16x1xi32>
          %gather3A_637 = vector.shape_cast %reshape3A_636 : vector<16x1xi32> to vector<16xi32>
          %gather3A_638 = tpu.dynamic_gather %add3A_632[%gather3A_637] in [0] : vector<16xi32>, vector<16xi32> -> vector<16xi32>
          %add3A_639 = arith.addi %add3A_632, %gather3A_638 : vector<16xi32>
          %slice3A_640 = vector.extract_strided_slice %add3A_639 {offsets = [0], sizes = [1], strides = [1]} : vector<16xi32> to vector<1xi32>
          %squeeze3A_641 = vector.extract %slice3A_640[0] : i32 from vector<1xi32>
          %gt3A_642 = arith.constant 0 : i32
          %gt3A_643 = arith.cmpi sgt, %squeeze3A_641, %gt3A_642 : i32
          %jit3A_644 = arith.constant 1 : i32
          %jit3A_645 = arith.constant 0 : i32
          %select_n3A_646 = arith.select %gt3A_643, %jit3A_644, %jit3A_645 : i32
          %add3A_647 = arith.addi %add3A_590, %select_n3A_646 : i32
          %add3A_648 = arith.constant 80 : i32
          %add3A_649 = arith.addi %mul3A_275, %add3A_648 : i32
          %get3A_650 = arith.index_cast %add3A_649 : i32 to index
          %get3A_651 = tpu.vector_load %arg4[%get3A_650] {strides = array<i32>} : memref<32768xf32, #tpu.memory_space<vmem>>, vector<16xf32>,
          %get3A_652 = vector.shape_cast %get3A_651 : vector<16xf32> to vector<16xf32>
          %ge3A_653 = arith.cmpf oge, %get3A_652, %bitcast_convert_type3A_126 : vector<16xf32>
          %broadcast_in_dim3A_654 = arith.constant 0xFF800000 : f32
          %broadcast_in_dim3A_655 = vector.broadcast %broadcast_in_dim3A_654 : f32 to vector<16xf32>
          %select_n3A_656 = arith.select %ge3A_653, %get3A_652, %broadcast_in_dim3A_655 : vector<16xi1>, vector<16xf32>
          %mul3A_657 = arith.constant 16 : i32
          %mul3A_658 = arith.muli %add3A_647, %mul3A_657 : i32
          %swap3A_659 = arith.index_cast %mul3A_658 : i32 to index
          %swap3A_660 = tpu.vector_load %arg6[%swap3A_659] {strides = array<i32>} : memref<32768xf32, #tpu.memory_space<vmem>>, vector<16xf32>,
          %swap3A_661 = vector.shape_cast %swap3A_660 : vector<16xf32> to vector<16xf32>
          %swap3A_662 = vector.shape_cast %select_n3A_656 : vector<16xf32> to vector<16xf32>
          tpu.vector_store %arg6[%swap3A_659], %swap3A_662 {strides = array<i32>} : memref<32768xf32, #tpu.memory_space<vmem>>, vector<16xf32>,
          %broadcast_in_dim3A_663 = arith.constant 1 : i32
          %broadcast_in_dim3A_664 = vector.broadcast %broadcast_in_dim3A_663 : i32 to vector<16xi32>
          %broadcast_in_dim3A_665 = arith.constant 0 : i32
          %broadcast_in_dim3A_666 = vector.broadcast %broadcast_in_dim3A_665 : i32 to vector<16xi32>
          %select_n3A_667 = arith.select %ge3A_653, %broadcast_in_dim3A_664, %broadcast_in_dim3A_666 : vector<16xi1>, vector<16xi32>
          %iota3A_668 = tpu.iota {dimensions = array<i32: 0>} : vector<16xi32>
          %xor3A_669 = arith.constant 1 : i32
          %xor3A_670 = vector.broadcast %xor3A_669 : i32 to vector<16xi32>
          %xor3A_671 = arith.xori %iota3A_668, %xor3A_670 : vector<16xi32>
          %reshape3A_672 = vector.shape_cast %xor3A_671 : vector<16xi32> to vector<16x1xi32>
          %gather3A_673 = vector.shape_cast %reshape3A_672 : vector<16x1xi32> to vector<16xi32>
          %gather3A_674 = tpu.dynamic_gather %select_n3A_667[%gather3A_673] in [0] : vector<16xi32>, vector<16xi32> -> vector<16xi32>
          %add3A_675 = arith.addi %select_n3A_667, %gather3A_674 : vector<16xi32>
          %xor3A_676 = arith.constant 2 : i32
          %xor3A_677 = vector.broadcast %xor3A_676 : i32 to vector<16xi32>
          %xor3A_678 = arith.xori %iota3A_668, %xor3A_677 : vector<16xi32>
          %reshape3A_679 = vector.shape_cast %xor3A_678 : vector<16xi32> to vector<16x1xi32>
          %gather3A_680 = vector.shape_cast %reshape3A_679 : vector<16x1xi32> to vector<16xi32>
          %gather3A_681 = tpu.dynamic_gather %add3A_675[%gather3A_680] in [0] : vector<16xi32>, vector<16xi32> -> vector<16xi32>
          %add3A_682 = arith.addi %add3A_675, %gather3A_681 : vector<16xi32>
          %xor3A_683 = arith.constant 4 : i32
          %xor3A_684 = vector.broadcast %xor3A_683 : i32 to vector<16xi32>
          %xor3A_685 = arith.xori %iota3A_668, %xor3A_684 : vector<16xi32>
          %reshape3A_686 = vector.shape_cast %xor3A_685 : vector<16xi32> to vector<16x1xi32>
          %gather3A_687 = vector.shape_cast %reshape3A_686 : vector<16x1xi32> to vector<16xi32>
          %gather3A_688 = tpu.dynamic_gather %add3A_682[%gather3A_687] in [0] : vector<16xi32>, vector<16xi32> -> vector<16xi32>
          %add3A_689 = arith.addi %add3A_682, %gather3A_688 : vector<16xi32>
          %xor3A_690 = arith.constant 8 : i32
          %xor3A_691 = vector.broadcast %xor3A_690 : i32 to vector<16xi32>
          %xor3A_692 = arith.xori %iota3A_668, %xor3A_691 : vector<16xi32>
          %reshape3A_693 = vector.shape_cast %xor3A_692 : vector<16xi32> to vector<16x1xi32>
          %gather3A_694 = vector.shape_cast %reshape3A_693 : vector<16x1xi32> to vector<16xi32>
          %gather3A_695 = tpu.dynamic_gather %add3A_689[%gather3A_694] in [0] : vector<16xi32>, vector<16xi32> -> vector<16xi32>
          %add3A_696 = arith.addi %add3A_689, %gather3A_695 : vector<16xi32>
          %slice3A_697 = vector.extract_strided_slice %add3A_696 {offsets = [0], sizes = [1], strides = [1]} : vector<16xi32> to vector<1xi32>
          %squeeze3A_698 = vector.extract %slice3A_697[0] : i32 from vector<1xi32>
          %gt3A_699 = arith.constant 0 : i32
          %gt3A_700 = arith.cmpi sgt, %squeeze3A_698, %gt3A_699 : i32
          %jit3A_701 = arith.constant 1 : i32
          %jit3A_702 = arith.constant 0 : i32
          %select_n3A_703 = arith.select %gt3A_700, %jit3A_701, %jit3A_702 : i32
          %add3A_704 = arith.addi %add3A_647, %select_n3A_703 : i32
          %add3A_705 = arith.constant 96 : i32
          %add3A_706 = arith.addi %mul3A_275, %add3A_705 : i32
          %get3A_707 = arith.index_cast %add3A_706 : i32 to index
          %get3A_708 = tpu.vector_load %arg4[%get3A_707] {strides = array<i32>} : memref<32768xf32, #tpu.memory_space<vmem>>, vector<16xf32>,
          %get3A_709 = vector.shape_cast %get3A_708 : vector<16xf32> to vector<16xf32>
          %ge3A_710 = arith.cmpf oge, %get3A_709, %bitcast_convert_type3A_126 : vector<16xf32>
          %broadcast_in_dim3A_711 = arith.constant 0xFF800000 : f32
          %broadcast_in_dim3A_712 = vector.broadcast %broadcast_in_dim3A_711 : f32 to vector<16xf32>
          %select_n3A_713 = arith.select %ge3A_710, %get3A_709, %broadcast_in_dim3A_712 : vector<16xi1>, vector<16xf32>
          %mul3A_714 = arith.constant 16 : i32
          %mul3A_715 = arith.muli %add3A_704, %mul3A_714 : i32
          %swap3A_716 = arith.index_cast %mul3A_715 : i32 to index
          %swap3A_717 = tpu.vector_load %arg6[%swap3A_716] {strides = array<i32>} : memref<32768xf32, #tpu.memory_space<vmem>>, vector<16xf32>,
          %swap3A_718 = vector.shape_cast %swap3A_717 : vector<16xf32> to vector<16xf32>
          %swap3A_719 = vector.shape_cast %select_n3A_713 : vector<16xf32> to vector<16xf32>
          tpu.vector_store %arg6[%swap3A_716], %swap3A_719 {strides = array<i32>} : memref<32768xf32, #tpu.memory_space<vmem>>, vector<16xf32>,
          %broadcast_in_dim3A_720 = arith.constant 1 : i32
          %broadcast_in_dim3A_721 = vector.broadcast %broadcast_in_dim3A_720 : i32 to vector<16xi32>
          %broadcast_in_dim3A_722 = arith.constant 0 : i32
          %broadcast_in_dim3A_723 = vector.broadcast %broadcast_in_dim3A_722 : i32 to vector<16xi32>
          %select_n3A_724 = arith.select %ge3A_710, %broadcast_in_dim3A_721, %broadcast_in_dim3A_723 : vector<16xi1>, vector<16xi32>
          %iota3A_725 = tpu.iota {dimensions = array<i32: 0>} : vector<16xi32>
          %xor3A_726 = arith.constant 1 : i32
          %xor3A_727 = vector.broadcast %xor3A_726 : i32 to vector<16xi32>
          %xor3A_728 = arith.xori %iota3A_725, %xor3A_727 : vector<16xi32>
          %reshape3A_729 = vector.shape_cast %xor3A_728 : vector<16xi32> to vector<16x1xi32>
          %gather3A_730 = vector.shape_cast %reshape3A_729 : vector<16x1xi32> to vector<16xi32>
          %gather3A_731 = tpu.dynamic_gather %select_n3A_724[%gather3A_730] in [0] : vector<16xi32>, vector<16xi32> -> vector<16xi32>
          %add3A_732 = arith.addi %select_n3A_724, %gather3A_731 : vector<16xi32>
          %xor3A_733 = arith.constant 2 : i32
          %xor3A_734 = vector.broadcast %xor3A_733 : i32 to vector<16xi32>
          %xor3A_735 = arith.xori %iota3A_725, %xor3A_734 : vector<16xi32>
          %reshape3A_736 = vector.shape_cast %xor3A_735 : vector<16xi32> to vector<16x1xi32>
          %gather3A_737 = vector.shape_cast %reshape3A_736 : vector<16x1xi32> to vector<16xi32>
          %gather3A_738 = tpu.dynamic_gather %add3A_732[%gather3A_737] in [0] : vector<16xi32>, vector<16xi32> -> vector<16xi32>
          %add3A_739 = arith.addi %add3A_732, %gather3A_738 : vector<16xi32>
          %xor3A_740 = arith.constant 4 : i32
          %xor3A_741 = vector.broadcast %xor3A_740 : i32 to vector<16xi32>
          %xor3A_742 = arith.xori %iota3A_725, %xor3A_741 : vector<16xi32>
          %reshape3A_743 = vector.shape_cast %xor3A_742 : vector<16xi32> to vector<16x1xi32>
          %gather3A_744 = vector.shape_cast %reshape3A_743 : vector<16x1xi32> to vector<16xi32>
          %gather3A_745 = tpu.dynamic_gather %add3A_739[%gather3A_744] in [0] : vector<16xi32>, vector<16xi32> -> vector<16xi32>
          %add3A_746 = arith.addi %add3A_739, %gather3A_745 : vector<16xi32>
          %xor3A_747 = arith.constant 8 : i32
          %xor3A_748 = vector.broadcast %xor3A_747 : i32 to vector<16xi32>
          %xor3A_749 = arith.xori %iota3A_725, %xor3A_748 : vector<16xi32>
          %reshape3A_750 = vector.shape_cast %xor3A_749 : vector<16xi32> to vector<16x1xi32>
          %gather3A_751 = vector.shape_cast %reshape3A_750 : vector<16x1xi32> to vector<16xi32>
          %gather3A_752 = tpu.dynamic_gather %add3A_746[%gather3A_751] in [0] : vector<16xi32>, vector<16xi32> -> vector<16xi32>
          %add3A_753 = arith.addi %add3A_746, %gather3A_752 : vector<16xi32>
          %slice3A_754 = vector.extract_strided_slice %add3A_753 {offsets = [0], sizes = [1], strides = [1]} : vector<16xi32> to vector<1xi32>
          %squeeze3A_755 = vector.extract %slice3A_754[0] : i32 from vector<1xi32>
          %gt3A_756 = arith.constant 0 : i32
          %gt3A_757 = arith.cmpi sgt, %squeeze3A_755, %gt3A_756 : i32
          %jit3A_758 = arith.constant 1 : i32
          %jit3A_759 = arith.constant 0 : i32
          %select_n3A_760 = arith.select %gt3A_757, %jit3A_758, %jit3A_759 : i32
          %add3A_761 = arith.addi %add3A_704, %select_n3A_760 : i32
          %add3A_762 = arith.constant 112 : i32
          %add3A_763 = arith.addi %mul3A_275, %add3A_762 : i32
          %get3A_764 = arith.index_cast %add3A_763 : i32 to index
          %get3A_765 = tpu.vector_load %arg4[%get3A_764] {strides = array<i32>} : memref<32768xf32, #tpu.memory_space<vmem>>, vector<16xf32>,
          %get3A_766 = vector.shape_cast %get3A_765 : vector<16xf32> to vector<16xf32>
          %ge3A_767 = arith.cmpf oge, %get3A_766, %bitcast_convert_type3A_126 : vector<16xf32>
          %broadcast_in_dim3A_768 = arith.constant 0xFF800000 : f32
          %broadcast_in_dim3A_769 = vector.broadcast %broadcast_in_dim3A_768 : f32 to vector<16xf32>
          %select_n3A_770 = arith.select %ge3A_767, %get3A_766, %broadcast_in_dim3A_769 : vector<16xi1>, vector<16xf32>
          %mul3A_771 = arith.constant 16 : i32
          %mul3A_772 = arith.muli %add3A_761, %mul3A_771 : i32
          %swap3A_773 = arith.index_cast %mul3A_772 : i32 to index
          %swap3A_774 = tpu.vector_load %arg6[%swap3A_773] {strides = array<i32>} : memref<32768xf32, #tpu.memory_space<vmem>>, vector<16xf32>,
          %swap3A_775 = vector.shape_cast %swap3A_774 : vector<16xf32> to vector<16xf32>
          %swap3A_776 = vector.shape_cast %select_n3A_770 : vector<16xf32> to vector<16xf32>
          tpu.vector_store %arg6[%swap3A_773], %swap3A_776 {strides = array<i32>} : memref<32768xf32, #tpu.memory_space<vmem>>, vector<16xf32>,
          %broadcast_in_dim3A_777 = arith.constant 1 : i32
          %broadcast_in_dim3A_778 = vector.broadcast %broadcast_in_dim3A_777 : i32 to vector<16xi32>
          %broadcast_in_dim3A_779 = arith.constant 0 : i32
          %broadcast_in_dim3A_780 = vector.broadcast %broadcast_in_dim3A_779 : i32 to vector<16xi32>
          %select_n3A_781 = arith.select %ge3A_767, %broadcast_in_dim3A_778, %broadcast_in_dim3A_780 : vector<16xi1>, vector<16xi32>
          %iota3A_782 = tpu.iota {dimensions = array<i32: 0>} : vector<16xi32>
          %xor3A_783 = arith.constant 1 : i32
          %xor3A_784 = vector.broadcast %xor3A_783 : i32 to vector<16xi32>
          %xor3A_785 = arith.xori %iota3A_782, %xor3A_784 : vector<16xi32>
          %reshape3A_786 = vector.shape_cast %xor3A_785 : vector<16xi32> to vector<16x1xi32>
          %gather3A_787 = vector.shape_cast %reshape3A_786 : vector<16x1xi32> to vector<16xi32>
          %gather3A_788 = tpu.dynamic_gather %select_n3A_781[%gather3A_787] in [0] : vector<16xi32>, vector<16xi32> -> vector<16xi32>
          %add3A_789 = arith.addi %select_n3A_781, %gather3A_788 : vector<16xi32>
          %xor3A_790 = arith.constant 2 : i32
          %xor3A_791 = vector.broadcast %xor3A_790 : i32 to vector<16xi32>
          %xor3A_792 = arith.xori %iota3A_782, %xor3A_791 : vector<16xi32>
          %reshape3A_793 = vector.shape_cast %xor3A_792 : vector<16xi32> to vector<16x1xi32>
          %gather3A_794 = vector.shape_cast %reshape3A_793 : vector<16x1xi32> to vector<16xi32>
          %gather3A_795 = tpu.dynamic_gather %add3A_789[%gather3A_794] in [0] : vector<16xi32>, vector<16xi32> -> vector<16xi32>
          %add3A_796 = arith.addi %add3A_789, %gather3A_795 : vector<16xi32>
          %xor3A_797 = arith.constant 4 : i32
          %xor3A_798 = vector.broadcast %xor3A_797 : i32 to vector<16xi32>
          %xor3A_799 = arith.xori %iota3A_782, %xor3A_798 : vector<16xi32>
          %reshape3A_800 = vector.shape_cast %xor3A_799 : vector<16xi32> to vector<16x1xi32>
          %gather3A_801 = vector.shape_cast %reshape3A_800 : vector<16x1xi32> to vector<16xi32>
          %gather3A_802 = tpu.dynamic_gather %add3A_796[%gather3A_801] in [0] : vector<16xi32>, vector<16xi32> -> vector<16xi32>
          %add3A_803 = arith.addi %add3A_796, %gather3A_802 : vector<16xi32>
          %xor3A_804 = arith.constant 8 : i32
          %xor3A_805 = vector.broadcast %xor3A_804 : i32 to vector<16xi32>
          %xor3A_806 = arith.xori %iota3A_782, %xor3A_805 : vector<16xi32>
          %reshape3A_807 = vector.shape_cast %xor3A_806 : vector<16xi32> to vector<16x1xi32>
          %gather3A_808 = vector.shape_cast %reshape3A_807 : vector<16x1xi32> to vector<16xi32>
          %gather3A_809 = tpu.dynamic_gather %add3A_803[%gather3A_808] in [0] : vector<16xi32>, vector<16xi32> -> vector<16xi32>
          %add3A_810 = arith.addi %add3A_803, %gather3A_809 : vector<16xi32>
          %slice3A_811 = vector.extract_strided_slice %add3A_810 {offsets = [0], sizes = [1], strides = [1]} : vector<16xi32> to vector<1xi32>
          %squeeze3A_812 = vector.extract %slice3A_811[0] : i32 from vector<1xi32>
          %gt3A_813 = arith.constant 0 : i32
          %gt3A_814 = arith.cmpi sgt, %squeeze3A_812, %gt3A_813 : i32
          %jit3A_815 = arith.constant 1 : i32
          %jit3A_816 = arith.constant 0 : i32
          %select_n3A_817 = arith.select %gt3A_814, %jit3A_815, %jit3A_816 : i32
          %add3A_818 = arith.addi %add3A_761, %select_n3A_817 : i32
          scf.yield %add3A_818 : i32
        } else {
          scf.yield %scan3A_271 : i32
        }
        scf.yield %cond3A_363 : i32
      }
      %scan3A_133 = arith.constant 256 : i32
      %broadcast_in_dim3A_134 = arith.constant 64 : i32
      %broadcast_in_dim3A_135 = vector.broadcast %broadcast_in_dim3A_134 : i32 to vector<16xi32>
      %scan3A_136 = arith.constant 0 : i32
      %scan3A_137 = arith.constant 32 : i32
      %scan3A_138 = arith.addi %scan3A_136, %scan3A_137 : i32
      %scan3A_139 = arith.constant 1 : i32
      %scan3A_140:2 = scf.for %scan3A_270 = %scan3A_136 to %scan3A_138 step %scan3A_139 iter_args(%scan3A_271 = %scan3A_118#0, %scan3A_272 = %select_n3A) -> (vector<16xi32>, vector<16xi32>)  : i32 {
        %shift_right_arithmetic3A = arith.constant 1 : i32
        %shift_right_arithmetic3A_273 = vector.broadcast %shift_right_arithmetic3A : i32 to vector<16xi32>
        %shift_right_arithmetic3A_274 = arith.shrsi %scan3A_271, %shift_right_arithmetic3A_273 : vector<16xi32>
        %shift_right_arithmetic3A_275 = arith.constant 1 : i32
        %shift_right_arithmetic3A_276 = vector.broadcast %shift_right_arithmetic3A_275 : i32 to vector<16xi32>
        %shift_right_arithmetic3A_277 = arith.shrsi %scan3A_272, %shift_right_arithmetic3A_276 : vector<16xi32>
        %add3A_278 = arith.addi %shift_right_arithmetic3A_274, %shift_right_arithmetic3A_277 : vector<16xi32>
        %and3A = arith.andi %scan3A_271, %scan3A_272 : vector<16xi32>
        %and3A_279 = arith.constant 1 : i32
        %and3A_280 = vector.broadcast %and3A_279 : i32 to vector<16xi32>
        %and3A_281 = arith.andi %and3A, %and3A_280 : vector<16xi32>
        %add3A_282 = arith.addi %add3A_278, %and3A_281 : vector<16xi32>
        %xor3A_283 = arith.xori %scan3A_271, %scan3A_272 : vector<16xi32>
        %and3A_284 = arith.constant 1 : i32
        %and3A_285 = vector.broadcast %and3A_284 : i32 to vector<16xi32>
        %and3A_286 = arith.andi %xor3A_283, %and3A_285 : vector<16xi32>
        %add3A_287 = arith.addi %add3A_282, %and3A_286 : vector<16xi32>
        %broadcast_in_dim3A_288 = arith.constant 0 : i32
        %broadcast_in_dim3A_289 = vector.broadcast %broadcast_in_dim3A_288 : i32 to vector<16xi32>
        %while3A_290 = arith.constant 0 : i32
        %while3A_291 = arith.subi %scan3A_132, %while3A_290 : i32
        %while3A_292 = arith.addi %while3A_290, %while3A_291 : i32
        %while3A_293 = arith.constant 1 : i32
        %while3A_294 = arith.divsi %while3A_291, %while3A_293 : i32
        %while3A_295 = arith.muli %while3A_294, %while3A_293 : i32
        %while3A_296 = arith.addi %while3A_290, %while3A_295 : i32
        %while3A_297 = arith.constant 1 : i32
        %while3A_298 = scf.for %while3A_336 = %while3A_290 to %while3A_296 step %while3A_297 iter_args(%while3A_337 = %broadcast_in_dim3A_289) -> (vector<16xi32>)  : i32 {
          %mul3A_338 = arith.constant 16 : i32
          %mul3A_339 = arith.muli %while3A_336, %mul3A_338 : i32
          %get3A_340 = arith.index_cast %mul3A_339 : i32 to index
          %get3A_341 = tpu.vector_load %arg6[%get3A_340] {strides = array<i32>} : memref<32768xf32, #tpu.memory_space<vmem>>, vector<16xf32>,
          %get3A_342 = vector.shape_cast %get3A_341 : vector<16xf32> to vector<16xf32>
          %bitcast_convert_type3A_343 = tpu.bitcast %get3A_342 : vector<16xf32> -> vector<16xi32>
          %ge3A_344 = arith.constant 0 : i32
          %ge3A_345 = vector.broadcast %ge3A_344 : i32 to vector<16xi32>
          %ge3A_346 = arith.cmpi sge, %bitcast_convert_type3A_343, %ge3A_345 : vector<16xi32>
          %sub3A_347 = arith.constant -2147483648 : i32
          %sub3A_348 = vector.broadcast %sub3A_347 : i32 to vector<16xi32>
          %sub3A_349 = arith.subi %sub3A_348, %bitcast_convert_type3A_343 : vector<16xi32>
          %select_n3A_350 = arith.select %ge3A_346, %bitcast_convert_type3A_343, %sub3A_349 : vector<16xi1>, vector<16xi32>
          %ge3A_351 = arith.cmpi sge, %select_n3A_350, %add3A_287 : vector<16xi32>
          %broadcast_in_dim3A_352 = arith.constant 1 : i32
          %broadcast_in_dim3A_353 = vector.broadcast %broadcast_in_dim3A_352 : i32 to vector<16xi32>
          %broadcast_in_dim3A_354 = arith.constant 0 : i32
          %broadcast_in_dim3A_355 = vector.broadcast %broadcast_in_dim3A_354 : i32 to vector<16xi32>
          %select_n3A_356 = arith.select %ge3A_351, %broadcast_in_dim3A_353, %broadcast_in_dim3A_355 : vector<16xi1>, vector<16xi32>
          %add3A_357 = arith.addi %while3A_337, %select_n3A_356 : vector<16xi32>
          scf.yield %add3A_357 : vector<16xi32>
        }
        %while3A_299 = arith.constant 1 : i32
        %while3A_300 = scf.for %while3A_336 = %while3A_296 to %while3A_292 step %while3A_299 iter_args(%while3A_337 = %while3A_298) -> (vector<16xi32>)  : i32 {
          %mul3A_338 = arith.constant 16 : i32
          %mul3A_339 = arith.muli %while3A_336, %mul3A_338 : i32
          %get3A_340 = arith.index_cast %mul3A_339 : i32 to index
          %get3A_341 = tpu.vector_load %arg6[%get3A_340] {strides = array<i32>} : memref<32768xf32, #tpu.memory_space<vmem>>, vector<16xf32>,
          %get3A_342 = vector.shape_cast %get3A_341 : vector<16xf32> to vector<16xf32>
          %bitcast_convert_type3A_343 = tpu.bitcast %get3A_342 : vector<16xf32> -> vector<16xi32>
          %ge3A_344 = arith.constant 0 : i32
          %ge3A_345 = vector.broadcast %ge3A_344 : i32 to vector<16xi32>
          %ge3A_346 = arith.cmpi sge, %bitcast_convert_type3A_343, %ge3A_345 : vector<16xi32>
          %sub3A_347 = arith.constant -2147483648 : i32
          %sub3A_348 = vector.broadcast %sub3A_347 : i32 to vector<16xi32>
          %sub3A_349 = arith.subi %sub3A_348, %bitcast_convert_type3A_343 : vector<16xi32>
          %select_n3A_350 = arith.select %ge3A_346, %bitcast_convert_type3A_343, %sub3A_349 : vector<16xi1>, vector<16xi32>
          %ge3A_351 = arith.cmpi sge, %select_n3A_350, %add3A_287 : vector<16xi32>
          %broadcast_in_dim3A_352 = arith.constant 1 : i32
          %broadcast_in_dim3A_353 = vector.broadcast %broadcast_in_dim3A_352 : i32 to vector<16xi32>
          %broadcast_in_dim3A_354 = arith.constant 0 : i32
          %broadcast_in_dim3A_355 = vector.broadcast %broadcast_in_dim3A_354 : i32 to vector<16xi32>
          %select_n3A_356 = arith.select %ge3A_351, %broadcast_in_dim3A_353, %broadcast_in_dim3A_355 : vector<16xi1>, vector<16xi32>
          %add3A_357 = arith.addi %while3A_337, %select_n3A_356 : vector<16xi32>
          scf.yield %add3A_357 : vector<16xi32>
        }
        %iota3A_301 = tpu.iota {dimensions = array<i32: 0>} : vector<16xi32>
        %xor3A_302 = arith.constant 1 : i32
        %xor3A_303 = vector.broadcast %xor3A_302 : i32 to vector<16xi32>
        %xor3A_304 = arith.xori %iota3A_301, %xor3A_303 : vector<16xi32>
        %reshape3A_305 = vector.shape_cast %xor3A_304 : vector<16xi32> to vector<16x1xi32>
        %gather3A_306 = vector.shape_cast %reshape3A_305 : vector<16x1xi32> to vector<16xi32>
        %gather3A_307 = tpu.dynamic_gather %while3A_300[%gather3A_306] in [0] : vector<16xi32>, vector<16xi32> -> vector<16xi32>
        %add3A_308 = arith.addi %while3A_300, %gather3A_307 : vector<16xi32>
        %xor3A_309 = arith.constant 2 : i32
        %xor3A_310 = vector.broadcast %xor3A_309 : i32 to vector<16xi32>
        %xor3A_311 = arith.xori %iota3A_301, %xor3A_310 : vector<16xi32>
        %reshape3A_312 = vector.shape_cast %xor3A_311 : vector<16xi32> to vector<16x1xi32>
        %gather3A_313 = vector.shape_cast %reshape3A_312 : vector<16x1xi32> to vector<16xi32>
        %gather3A_314 = tpu.dynamic_gather %add3A_308[%gather3A_313] in [0] : vector<16xi32>, vector<16xi32> -> vector<16xi32>
        %add3A_315 = arith.addi %add3A_308, %gather3A_314 : vector<16xi32>
        %xor3A_316 = arith.constant 4 : i32
        %xor3A_317 = vector.broadcast %xor3A_316 : i32 to vector<16xi32>
        %xor3A_318 = arith.xori %iota3A_301, %xor3A_317 : vector<16xi32>
        %reshape3A_319 = vector.shape_cast %xor3A_318 : vector<16xi32> to vector<16x1xi32>
        %gather3A_320 = vector.shape_cast %reshape3A_319 : vector<16x1xi32> to vector<16xi32>
        %gather3A_321 = tpu.dynamic_gather %add3A_315[%gather3A_320] in [0] : vector<16xi32>, vector<16xi32> -> vector<16xi32>
        %add3A_322 = arith.addi %add3A_315, %gather3A_321 : vector<16xi32>
        %xor3A_323 = arith.constant 8 : i32
        %xor3A_324 = vector.broadcast %xor3A_323 : i32 to vector<16xi32>
        %xor3A_325 = arith.xori %iota3A_301, %xor3A_324 : vector<16xi32>
        %reshape3A_326 = vector.shape_cast %xor3A_325 : vector<16xi32> to vector<16x1xi32>
        %gather3A_327 = vector.shape_cast %reshape3A_326 : vector<16x1xi32> to vector<16xi32>
        %gather3A_328 = tpu.dynamic_gather %add3A_322[%gather3A_327] in [0] : vector<16xi32>, vector<16xi32> -> vector<16xi32>
        %add3A_329 = arith.addi %add3A_322, %gather3A_328 : vector<16xi32>
        %ge3A_330 = arith.cmpi sge, %add3A_329, %broadcast_in_dim3A_135 : vector<16xi32>
        %select_n3A_331 = arith.select %ge3A_330, %add3A_287, %scan3A_271 : vector<16xi1>, vector<16xi32>
        %sub3A_332 = arith.constant 1 : i32
        %sub3A_333 = vector.broadcast %sub3A_332 : i32 to vector<16xi32>
        %sub3A_334 = arith.subi %add3A_287, %sub3A_333 : vector<16xi32>
        %select_n3A_335 = arith.select %ge3A_330, %scan3A_272, %sub3A_334 : vector<16xi1>, vector<16xi32>
        scf.yield %select_n3A_331, %select_n3A_335 : vector<16xi32>, vector<16xi32>
      }
      %scan3A_141 = arith.constant 32 : i32
      %lt3A = arith.constant 2147483647 : i32
      %lt3A_142 = vector.broadcast %lt3A : i32 to vector<16xi32>
      %lt3A_143 = arith.cmpi slt, %scan3A_140#0, %lt3A_142 : vector<16xi32>
      %add3A_144 = arith.constant 1 : i32
      %add3A_145 = vector.broadcast %add3A_144 : i32 to vector<16xi32>
      %add3A_146 = arith.addi %scan3A_140#0, %add3A_145 : vector<16xi32>
      %select_n3A_147 = arith.select %lt3A_143, %add3A_146, %scan3A_140#0 : vector<16xi1>, vector<16xi32>
      %broadcast_in_dim3A_148 = arith.constant 0 : i32
      %broadcast_in_dim3A_149 = vector.broadcast %broadcast_in_dim3A_148 : i32 to vector<16xi32>
      %while3A = arith.constant 0 : i32
      %while3A_150 = arith.subi %scan3A_132, %while3A : i32
      %while3A_151 = arith.addi %while3A, %while3A_150 : i32
      %while3A_152 = arith.constant 1 : i32
      %while3A_153 = arith.divsi %while3A_150, %while3A_152 : i32
      %while3A_154 = arith.muli %while3A_153, %while3A_152 : i32
      %while3A_155 = arith.addi %while3A, %while3A_154 : i32
      %while3A_156 = arith.constant 1 : i32
      %while3A_157 = scf.for %while3A_270 = %while3A to %while3A_155 step %while3A_156 iter_args(%while3A_271 = %broadcast_in_dim3A_149) -> (vector<16xi32>)  : i32 {
        %mul3A_272 = arith.constant 16 : i32
        %mul3A_273 = arith.muli %while3A_270, %mul3A_272 : i32
        %get3A_274 = arith.index_cast %mul3A_273 : i32 to index
        %get3A_275 = tpu.vector_load %arg6[%get3A_274] {strides = array<i32>} : memref<32768xf32, #tpu.memory_space<vmem>>, vector<16xf32>,
        %get3A_276 = vector.shape_cast %get3A_275 : vector<16xf32> to vector<16xf32>
        %bitcast_convert_type3A_277 = tpu.bitcast %get3A_276 : vector<16xf32> -> vector<16xi32>
        %ge3A_278 = arith.constant 0 : i32
        %ge3A_279 = vector.broadcast %ge3A_278 : i32 to vector<16xi32>
        %ge3A_280 = arith.cmpi sge, %bitcast_convert_type3A_277, %ge3A_279 : vector<16xi32>
        %sub3A_281 = arith.constant -2147483648 : i32
        %sub3A_282 = vector.broadcast %sub3A_281 : i32 to vector<16xi32>
        %sub3A_283 = arith.subi %sub3A_282, %bitcast_convert_type3A_277 : vector<16xi32>
        %select_n3A_284 = arith.select %ge3A_280, %bitcast_convert_type3A_277, %sub3A_283 : vector<16xi1>, vector<16xi32>
        %ge3A_285 = arith.cmpi sge, %select_n3A_284, %select_n3A_147 : vector<16xi32>
        %broadcast_in_dim3A_286 = arith.constant 1 : i32
        %broadcast_in_dim3A_287 = vector.broadcast %broadcast_in_dim3A_286 : i32 to vector<16xi32>
        %broadcast_in_dim3A_288 = arith.constant 0 : i32
        %broadcast_in_dim3A_289 = vector.broadcast %broadcast_in_dim3A_288 : i32 to vector<16xi32>
        %select_n3A_290 = arith.select %ge3A_285, %broadcast_in_dim3A_287, %broadcast_in_dim3A_289 : vector<16xi1>, vector<16xi32>
        %add3A_291 = arith.addi %while3A_271, %select_n3A_290 : vector<16xi32>
        scf.yield %add3A_291 : vector<16xi32>
      }
      %while3A_158 = arith.constant 1 : i32
      %while3A_159 = scf.for %while3A_270 = %while3A_155 to %while3A_151 step %while3A_158 iter_args(%while3A_271 = %while3A_157) -> (vector<16xi32>)  : i32 {
        %mul3A_272 = arith.constant 16 : i32
        %mul3A_273 = arith.muli %while3A_270, %mul3A_272 : i32
        %get3A_274 = arith.index_cast %mul3A_273 : i32 to index
        %get3A_275 = tpu.vector_load %arg6[%get3A_274] {strides = array<i32>} : memref<32768xf32, #tpu.memory_space<vmem>>, vector<16xf32>,
        %get3A_276 = vector.shape_cast %get3A_275 : vector<16xf32> to vector<16xf32>
        %bitcast_convert_type3A_277 = tpu.bitcast %get3A_276 : vector<16xf32> -> vector<16xi32>
        %ge3A_278 = arith.constant 0 : i32
        %ge3A_279 = vector.broadcast %ge3A_278 : i32 to vector<16xi32>
        %ge3A_280 = arith.cmpi sge, %bitcast_convert_type3A_277, %ge3A_279 : vector<16xi32>
        %sub3A_281 = arith.constant -2147483648 : i32
        %sub3A_282 = vector.broadcast %sub3A_281 : i32 to vector<16xi32>
        %sub3A_283 = arith.subi %sub3A_282, %bitcast_convert_type3A_277 : vector<16xi32>
        %select_n3A_284 = arith.select %ge3A_280, %bitcast_convert_type3A_277, %sub3A_283 : vector<16xi1>, vector<16xi32>
        %ge3A_285 = arith.cmpi sge, %select_n3A_284, %select_n3A_147 : vector<16xi32>
        %broadcast_in_dim3A_286 = arith.constant 1 : i32
        %broadcast_in_dim3A_287 = vector.broadcast %broadcast_in_dim3A_286 : i32 to vector<16xi32>
        %broadcast_in_dim3A_288 = arith.constant 0 : i32
        %broadcast_in_dim3A_289 = vector.broadcast %broadcast_in_dim3A_288 : i32 to vector<16xi32>
        %select_n3A_290 = arith.select %ge3A_285, %broadcast_in_dim3A_287, %broadcast_in_dim3A_289 : vector<16xi1>, vector<16xi32>
        %add3A_291 = arith.addi %while3A_271, %select_n3A_290 : vector<16xi32>
        scf.yield %add3A_291 : vector<16xi32>
      }
      %iota3A_160 = tpu.iota {dimensions = array<i32: 0>} : vector<16xi32>
      %xor3A_161 = arith.constant 1 : i32
      %xor3A_162 = vector.broadcast %xor3A_161 : i32 to vector<16xi32>
      %xor3A_163 = arith.xori %iota3A_160, %xor3A_162 : vector<16xi32>
      %reshape3A_164 = vector.shape_cast %xor3A_163 : vector<16xi32> to vector<16x1xi32>
      %gather3A_165 = vector.shape_cast %reshape3A_164 : vector<16x1xi32> to vector<16xi32>
      %gather3A_166 = tpu.dynamic_gather %while3A_159[%gather3A_165] in [0] : vector<16xi32>, vector<16xi32> -> vector<16xi32>
      %add3A_167 = arith.addi %while3A_159, %gather3A_166 : vector<16xi32>
      %xor3A_168 = arith.constant 2 : i32
      %xor3A_169 = vector.broadcast %xor3A_168 : i32 to vector<16xi32>
      %xor3A_170 = arith.xori %iota3A_160, %xor3A_169 : vector<16xi32>
      %reshape3A_171 = vector.shape_cast %xor3A_170 : vector<16xi32> to vector<16x1xi32>
      %gather3A_172 = vector.shape_cast %reshape3A_171 : vector<16x1xi32> to vector<16xi32>
      %gather3A_173 = tpu.dynamic_gather %add3A_167[%gather3A_172] in [0] : vector<16xi32>, vector<16xi32> -> vector<16xi32>
      %add3A_174 = arith.addi %add3A_167, %gather3A_173 : vector<16xi32>
      %xor3A_175 = arith.constant 4 : i32
      %xor3A_176 = vector.broadcast %xor3A_175 : i32 to vector<16xi32>
      %xor3A_177 = arith.xori %iota3A_160, %xor3A_176 : vector<16xi32>
      %reshape3A_178 = vector.shape_cast %xor3A_177 : vector<16xi32> to vector<16x1xi32>
      %gather3A_179 = vector.shape_cast %reshape3A_178 : vector<16x1xi32> to vector<16xi32>
      %gather3A_180 = tpu.dynamic_gather %add3A_174[%gather3A_179] in [0] : vector<16xi32>, vector<16xi32> -> vector<16xi32>
      %add3A_181 = arith.addi %add3A_174, %gather3A_180 : vector<16xi32>
      %xor3A_182 = arith.constant 8 : i32
      %xor3A_183 = vector.broadcast %xor3A_182 : i32 to vector<16xi32>
      %xor3A_184 = arith.xori %iota3A_160, %xor3A_183 : vector<16xi32>
      %reshape3A_185 = vector.shape_cast %xor3A_184 : vector<16xi32> to vector<16x1xi32>
      %gather3A_186 = vector.shape_cast %reshape3A_185 : vector<16x1xi32> to vector<16xi32>
      %gather3A_187 = tpu.dynamic_gather %add3A_181[%gather3A_186] in [0] : vector<16xi32>, vector<16xi32> -> vector<16xi32>
      %add3A_188 = arith.addi %add3A_181, %gather3A_187 : vector<16xi32>
      %broadcast_in_dim3A_189 = arith.constant 0 : i32
      %broadcast_in_dim3A_190 = vector.broadcast %broadcast_in_dim3A_189 : i32 to vector<16xi32>
      %select_n3A_191 = arith.select %lt3A_143, %add3A_188, %broadcast_in_dim3A_190 : vector<16xi1>, vector<16xi32>
      %broadcast_in_dim3A_192 = arith.constant 64 : i32
      %broadcast_in_dim3A_193 = vector.broadcast %broadcast_in_dim3A_192 : i32 to vector<16xi32>
      %sub3A_194 = arith.subi %broadcast_in_dim3A_193, %select_n3A_191 : vector<16xi32>
      %gt3A_195 = arith.constant 0 : i32
      %gt3A_196 = vector.broadcast %gt3A_195 : i32 to vector<16xi32>
      %gt3A_197 = arith.cmpi sgt, %scan3A_140#0, %gt3A_196 : vector<16xi32>
      %sub3A_198 = arith.constant -2147483648 : i32
      %sub3A_199 = vector.broadcast %sub3A_198 : i32 to vector<16xi32>
      %sub3A_200 = arith.subi %sub3A_199, %scan3A_140#0 : vector<16xi32>
      %select_n3A_201 = arith.select %gt3A_197, %scan3A_140#0, %sub3A_200 : vector<16xi1>, vector<16xi32>
      %bitcast_convert_type3A_202 = tpu.bitcast %select_n3A_201 : vector<16xi32> -> vector<16xf32>
      %broadcast_in_dim3A_203 = arith.constant 0 : i32
      %broadcast_in_dim3A_204 = vector.broadcast %broadcast_in_dim3A_203 : i32 to vector<16xi32>
      %while3A_205 = arith.constant 0 : i32
      %while3A_206 = arith.subi %scan3A_132, %while3A_205 : i32
      %while3A_207 = arith.addi %while3A_205, %while3A_206 : i32
      %while3A_208 = arith.constant 1 : i32
      %while3A_209 = arith.divsi %while3A_206, %while3A_208 : i32
      %while3A_210 = arith.muli %while3A_209, %while3A_208 : i32
      %while3A_211 = arith.addi %while3A_205, %while3A_210 : i32
      %while3A_212 = arith.constant 1 : i32
      %while3A_213 = scf.for %while3A_270 = %while3A_205 to %while3A_211 step %while3A_212 iter_args(%while3A_271 = %broadcast_in_dim3A_204) -> (vector<16xi32>)  : i32 {
        %mul3A_272 = arith.constant 16 : i32
        %mul3A_273 = arith.muli %while3A_270, %mul3A_272 : i32
        %get3A_274 = arith.index_cast %mul3A_273 : i32 to index
        %get3A_275 = tpu.vector_load %arg6[%get3A_274] {strides = array<i32>} : memref<32768xf32, #tpu.memory_space<vmem>>, vector<16xf32>,
        %get3A_276 = vector.shape_cast %get3A_275 : vector<16xf32> to vector<16xf32>
        %bitcast_convert_type3A_277 = tpu.bitcast %get3A_276 : vector<16xf32> -> vector<16xi32>
        %ge3A_278 = arith.constant 0 : i32
        %ge3A_279 = vector.broadcast %ge3A_278 : i32 to vector<16xi32>
        %ge3A_280 = arith.cmpi sge, %bitcast_convert_type3A_277, %ge3A_279 : vector<16xi32>
        %sub3A_281 = arith.constant -2147483648 : i32
        %sub3A_282 = vector.broadcast %sub3A_281 : i32 to vector<16xi32>
        %sub3A_283 = arith.subi %sub3A_282, %bitcast_convert_type3A_277 : vector<16xi32>
        %select_n3A_284 = arith.select %ge3A_280, %bitcast_convert_type3A_277, %sub3A_283 : vector<16xi1>, vector<16xi32>
        %eq3A = arith.cmpi eq, %select_n3A_284, %scan3A_140#0 : vector<16xi32>
        %broadcast_in_dim3A_285 = arith.constant 1 : i32
        %broadcast_in_dim3A_286 = vector.broadcast %broadcast_in_dim3A_285 : i32 to vector<16xi32>
        %broadcast_in_dim3A_287 = arith.constant 0 : i32
        %broadcast_in_dim3A_288 = vector.broadcast %broadcast_in_dim3A_287 : i32 to vector<16xi32>
        %select_n3A_289 = arith.select %eq3A, %broadcast_in_dim3A_286, %broadcast_in_dim3A_288 : vector<16xi1>, vector<16xi32>
        %add3A_290 = arith.addi %while3A_271, %select_n3A_289 : vector<16xi32>
        scf.yield %add3A_290 : vector<16xi32>
      }
      %while3A_214 = arith.constant 1 : i32
      %while3A_215 = scf.for %while3A_270 = %while3A_211 to %while3A_207 step %while3A_214 iter_args(%while3A_271 = %while3A_213) -> (vector<16xi32>)  : i32 {
        %mul3A_272 = arith.constant 16 : i32
        %mul3A_273 = arith.muli %while3A_270, %mul3A_272 : i32
        %get3A_274 = arith.index_cast %mul3A_273 : i32 to index
        %get3A_275 = tpu.vector_load %arg6[%get3A_274] {strides = array<i32>} : memref<32768xf32, #tpu.memory_space<vmem>>, vector<16xf32>,
        %get3A_276 = vector.shape_cast %get3A_275 : vector<16xf32> to vector<16xf32>
        %bitcast_convert_type3A_277 = tpu.bitcast %get3A_276 : vector<16xf32> -> vector<16xi32>
        %ge3A_278 = arith.constant 0 : i32
        %ge3A_279 = vector.broadcast %ge3A_278 : i32 to vector<16xi32>
        %ge3A_280 = arith.cmpi sge, %bitcast_convert_type3A_277, %ge3A_279 : vector<16xi32>
        %sub3A_281 = arith.constant -2147483648 : i32
        %sub3A_282 = vector.broadcast %sub3A_281 : i32 to vector<16xi32>
        %sub3A_283 = arith.subi %sub3A_282, %bitcast_convert_type3A_277 : vector<16xi32>
        %select_n3A_284 = arith.select %ge3A_280, %bitcast_convert_type3A_277, %sub3A_283 : vector<16xi1>, vector<16xi32>
        %eq3A = arith.cmpi eq, %select_n3A_284, %scan3A_140#0 : vector<16xi32>
        %broadcast_in_dim3A_285 = arith.constant 1 : i32
        %broadcast_in_dim3A_286 = vector.broadcast %broadcast_in_dim3A_285 : i32 to vector<16xi32>
        %broadcast_in_dim3A_287 = arith.constant 0 : i32
        %broadcast_in_dim3A_288 = vector.broadcast %broadcast_in_dim3A_287 : i32 to vector<16xi32>
        %select_n3A_289 = arith.select %eq3A, %broadcast_in_dim3A_286, %broadcast_in_dim3A_288 : vector<16xi1>, vector<16xi32>
        %add3A_290 = arith.addi %while3A_271, %select_n3A_289 : vector<16xi32>
        scf.yield %add3A_290 : vector<16xi32>
      }
      %iota3A_216 = tpu.iota {dimensions = array<i32: 0>} : vector<16xi32>
      %xor3A_217 = arith.constant 1 : i32
      %xor3A_218 = vector.broadcast %xor3A_217 : i32 to vector<16xi32>
      %xor3A_219 = arith.xori %iota3A_216, %xor3A_218 : vector<16xi32>
      %reshape3A_220 = vector.shape_cast %xor3A_219 : vector<16xi32> to vector<16x1xi32>
      %gather3A_221 = vector.shape_cast %reshape3A_220 : vector<16x1xi32> to vector<16xi32>
      %gather3A_222 = tpu.dynamic_gather %while3A_215[%gather3A_221] in [0] : vector<16xi32>, vector<16xi32> -> vector<16xi32>
      %add3A_223 = arith.addi %while3A_215, %gather3A_222 : vector<16xi32>
      %xor3A_224 = arith.constant 2 : i32
      %xor3A_225 = vector.broadcast %xor3A_224 : i32 to vector<16xi32>
      %xor3A_226 = arith.xori %iota3A_216, %xor3A_225 : vector<16xi32>
      %reshape3A_227 = vector.shape_cast %xor3A_226 : vector<16xi32> to vector<16x1xi32>
      %gather3A_228 = vector.shape_cast %reshape3A_227 : vector<16x1xi32> to vector<16xi32>
      %gather3A_229 = tpu.dynamic_gather %add3A_223[%gather3A_228] in [0] : vector<16xi32>, vector<16xi32> -> vector<16xi32>
      %add3A_230 = arith.addi %add3A_223, %gather3A_229 : vector<16xi32>
      %xor3A_231 = arith.constant 4 : i32
      %xor3A_232 = vector.broadcast %xor3A_231 : i32 to vector<16xi32>
      %xor3A_233 = arith.xori %iota3A_216, %xor3A_232 : vector<16xi32>
      %reshape3A_234 = vector.shape_cast %xor3A_233 : vector<16xi32> to vector<16x1xi32>
      %gather3A_235 = vector.shape_cast %reshape3A_234 : vector<16x1xi32> to vector<16xi32>
      %gather3A_236 = tpu.dynamic_gather %add3A_230[%gather3A_235] in [0] : vector<16xi32>, vector<16xi32> -> vector<16xi32>
      %add3A_237 = arith.addi %add3A_230, %gather3A_236 : vector<16xi32>
      %xor3A_238 = arith.constant 8 : i32
      %xor3A_239 = vector.broadcast %xor3A_238 : i32 to vector<16xi32>
      %xor3A_240 = arith.xori %iota3A_216, %xor3A_239 : vector<16xi32>
      %reshape3A_241 = vector.shape_cast %xor3A_240 : vector<16xi32> to vector<16x1xi32>
      %gather3A_242 = vector.shape_cast %reshape3A_241 : vector<16x1xi32> to vector<16xi32>
      %gather3A_243 = tpu.dynamic_gather %add3A_237[%gather3A_242] in [0] : vector<16xi32>, vector<16xi32> -> vector<16xi32>
      %add3A_244 = arith.addi %add3A_237, %gather3A_243 : vector<16xi32>
      %scan3A_245 = arith.constant 0 : i32
      %scan3A_246 = arith.constant 0 : i32
      %scan3A_247 = arith.constant 256 : i32
      %scan3A_248 = arith.addi %scan3A_246, %scan3A_247 : i32
      %scan3A_249 = arith.constant 1 : i32
      %scan3A_250 = scf.for %scan3A_270 = %scan3A_246 to %scan3A_248 step %scan3A_249 iter_args(%scan3A_271 = %scan3A_245) -> (i32)  : i32 {
        %mul3A_272 = arith.constant 8 : i32
        %mul3A_273 = arith.muli %scan3A_270, %mul3A_272 : i32
        %mul3A_274 = arith.constant 16 : i32
        %mul3A_275 = arith.muli %mul3A_273, %mul3A_274 : i32
        %add3A_276 = arith.constant 0 : i32
        %add3A_277 = arith.addi %mul3A_275, %add3A_276 : i32
        %get3A_278 = arith.index_cast %add3A_277 : i32 to index
        %get3A_279 = tpu.vector_load %arg4[%get3A_278] {strides = array<i32>} : memref<32768xf32, #tpu.memory_space<vmem>>, vector<16xf32>,
        %get3A_280 = vector.shape_cast %get3A_279 : vector<16xf32> to vector<16xf32>
        %ge3A_281 = arith.cmpf oge, %get3A_280, %bitcast_convert_type3A_202 : vector<16xf32>
        %jit3A_282 = arith.constant 0.000000e+00 : f32
        %broadcast_in_dim3A_283 = vector.broadcast %jit3A_282 : f32 to vector<16xf32>
        %select_n3A_284 = arith.select %ge3A_281, %get3A_280, %broadcast_in_dim3A_283 : vector<16xi1>, vector<16xf32>
        %add3A_285 = arith.constant 0 : i32
        %add3A_286 = arith.addi %mul3A_275, %add3A_285 : i32
        %swap3A = arith.index_cast %add3A_286 : i32 to index
        %swap3A_287 = tpu.vector_load %arg4[%swap3A] {strides = array<i32>} : memref<32768xf32, #tpu.memory_space<vmem>>, vector<16xf32>,
        %swap3A_288 = vector.shape_cast %swap3A_287 : vector<16xf32> to vector<16xf32>
        %swap3A_289 = vector.shape_cast %select_n3A_284 : vector<16xf32> to vector<16xf32>
        tpu.vector_store %arg4[%swap3A], %swap3A_289 {strides = array<i32>} : memref<32768xf32, #tpu.memory_space<vmem>>, vector<16xf32>,
        %add3A_290 = arith.constant 16 : i32
        %add3A_291 = arith.addi %mul3A_275, %add3A_290 : i32
        %get3A_292 = arith.index_cast %add3A_291 : i32 to index
        %get3A_293 = tpu.vector_load %arg4[%get3A_292] {strides = array<i32>} : memref<32768xf32, #tpu.memory_space<vmem>>, vector<16xf32>,
        %get3A_294 = vector.shape_cast %get3A_293 : vector<16xf32> to vector<16xf32>
        %ge3A_295 = arith.cmpf oge, %get3A_294, %bitcast_convert_type3A_202 : vector<16xf32>
        %jit3A_296 = arith.constant 0.000000e+00 : f32
        %broadcast_in_dim3A_297 = vector.broadcast %jit3A_296 : f32 to vector<16xf32>
        %select_n3A_298 = arith.select %ge3A_295, %get3A_294, %broadcast_in_dim3A_297 : vector<16xi1>, vector<16xf32>
        %add3A_299 = arith.constant 16 : i32
        %add3A_300 = arith.addi %mul3A_275, %add3A_299 : i32
        %swap3A_301 = arith.index_cast %add3A_300 : i32 to index
        %swap3A_302 = tpu.vector_load %arg4[%swap3A_301] {strides = array<i32>} : memref<32768xf32, #tpu.memory_space<vmem>>, vector<16xf32>,
        %swap3A_303 = vector.shape_cast %swap3A_302 : vector<16xf32> to vector<16xf32>
        %swap3A_304 = vector.shape_cast %select_n3A_298 : vector<16xf32> to vector<16xf32>
        tpu.vector_store %arg4[%swap3A_301], %swap3A_304 {strides = array<i32>} : memref<32768xf32, #tpu.memory_space<vmem>>, vector<16xf32>,
        %add3A_305 = arith.constant 32 : i32
        %add3A_306 = arith.addi %mul3A_275, %add3A_305 : i32
        %get3A_307 = arith.index_cast %add3A_306 : i32 to index
        %get3A_308 = tpu.vector_load %arg4[%get3A_307] {strides = array<i32>} : memref<32768xf32, #tpu.memory_space<vmem>>, vector<16xf32>,
        %get3A_309 = vector.shape_cast %get3A_308 : vector<16xf32> to vector<16xf32>
        %ge3A_310 = arith.cmpf oge, %get3A_309, %bitcast_convert_type3A_202 : vector<16xf32>
        %jit3A_311 = arith.constant 0.000000e+00 : f32
        %broadcast_in_dim3A_312 = vector.broadcast %jit3A_311 : f32 to vector<16xf32>
        %select_n3A_313 = arith.select %ge3A_310, %get3A_309, %broadcast_in_dim3A_312 : vector<16xi1>, vector<16xf32>
        %add3A_314 = arith.constant 32 : i32
        %add3A_315 = arith.addi %mul3A_275, %add3A_314 : i32
        %swap3A_316 = arith.index_cast %add3A_315 : i32 to index
        %swap3A_317 = tpu.vector_load %arg4[%swap3A_316] {strides = array<i32>} : memref<32768xf32, #tpu.memory_space<vmem>>, vector<16xf32>,
        %swap3A_318 = vector.shape_cast %swap3A_317 : vector<16xf32> to vector<16xf32>
        %swap3A_319 = vector.shape_cast %select_n3A_313 : vector<16xf32> to vector<16xf32>
        tpu.vector_store %arg4[%swap3A_316], %swap3A_319 {strides = array<i32>} : memref<32768xf32, #tpu.memory_space<vmem>>, vector<16xf32>,
        %add3A_320 = arith.constant 48 : i32
        %add3A_321 = arith.addi %mul3A_275, %add3A_320 : i32
        %get3A_322 = arith.index_cast %add3A_321 : i32 to index
        %get3A_323 = tpu.vector_load %arg4[%get3A_322] {strides = array<i32>} : memref<32768xf32, #tpu.memory_space<vmem>>, vector<16xf32>,
        %get3A_324 = vector.shape_cast %get3A_323 : vector<16xf32> to vector<16xf32>
        %ge3A_325 = arith.cmpf oge, %get3A_324, %bitcast_convert_type3A_202 : vector<16xf32>
        %jit3A_326 = arith.constant 0.000000e+00 : f32
        %broadcast_in_dim3A_327 = vector.broadcast %jit3A_326 : f32 to vector<16xf32>
        %select_n3A_328 = arith.select %ge3A_325, %get3A_324, %broadcast_in_dim3A_327 : vector<16xi1>, vector<16xf32>
        %add3A_329 = arith.constant 48 : i32
        %add3A_330 = arith.addi %mul3A_275, %add3A_329 : i32
        %swap3A_331 = arith.index_cast %add3A_330 : i32 to index
        %swap3A_332 = tpu.vector_load %arg4[%swap3A_331] {strides = array<i32>} : memref<32768xf32, #tpu.memory_space<vmem>>, vector<16xf32>,
        %swap3A_333 = vector.shape_cast %swap3A_332 : vector<16xf32> to vector<16xf32>
        %swap3A_334 = vector.shape_cast %select_n3A_328 : vector<16xf32> to vector<16xf32>
        tpu.vector_store %arg4[%swap3A_331], %swap3A_334 {strides = array<i32>} : memref<32768xf32, #tpu.memory_space<vmem>>, vector<16xf32>,
        %add3A_335 = arith.constant 64 : i32
        %add3A_336 = arith.addi %mul3A_275, %add3A_335 : i32
        %get3A_337 = arith.index_cast %add3A_336 : i32 to index
        %get3A_338 = tpu.vector_load %arg4[%get3A_337] {strides = array<i32>} : memref<32768xf32, #tpu.memory_space<vmem>>, vector<16xf32>,
        %get3A_339 = vector.shape_cast %get3A_338 : vector<16xf32> to vector<16xf32>
        %ge3A_340 = arith.cmpf oge, %get3A_339, %bitcast_convert_type3A_202 : vector<16xf32>
        %jit3A_341 = arith.constant 0.000000e+00 : f32
        %broadcast_in_dim3A_342 = vector.broadcast %jit3A_341 : f32 to vector<16xf32>
        %select_n3A_343 = arith.select %ge3A_340, %get3A_339, %broadcast_in_dim3A_342 : vector<16xi1>, vector<16xf32>
        %add3A_344 = arith.constant 64 : i32
        %add3A_345 = arith.addi %mul3A_275, %add3A_344 : i32
        %swap3A_346 = arith.index_cast %add3A_345 : i32 to index
        %swap3A_347 = tpu.vector_load %arg4[%swap3A_346] {strides = array<i32>} : memref<32768xf32, #tpu.memory_space<vmem>>, vector<16xf32>,
        %swap3A_348 = vector.shape_cast %swap3A_347 : vector<16xf32> to vector<16xf32>
        %swap3A_349 = vector.shape_cast %select_n3A_343 : vector<16xf32> to vector<16xf32>
        tpu.vector_store %arg4[%swap3A_346], %swap3A_349 {strides = array<i32>} : memref<32768xf32, #tpu.memory_space<vmem>>, vector<16xf32>,
        %add3A_350 = arith.constant 80 : i32
        %add3A_351 = arith.addi %mul3A_275, %add3A_350 : i32
        %get3A_352 = arith.index_cast %add3A_351 : i32 to index
        %get3A_353 = tpu.vector_load %arg4[%get3A_352] {strides = array<i32>} : memref<32768xf32, #tpu.memory_space<vmem>>, vector<16xf32>,
        %get3A_354 = vector.shape_cast %get3A_353 : vector<16xf32> to vector<16xf32>
        %ge3A_355 = arith.cmpf oge, %get3A_354, %bitcast_convert_type3A_202 : vector<16xf32>
        %jit3A_356 = arith.constant 0.000000e+00 : f32
        %broadcast_in_dim3A_357 = vector.broadcast %jit3A_356 : f32 to vector<16xf32>
        %select_n3A_358 = arith.select %ge3A_355, %get3A_354, %broadcast_in_dim3A_357 : vector<16xi1>, vector<16xf32>
        %add3A_359 = arith.constant 80 : i32
        %add3A_360 = arith.addi %mul3A_275, %add3A_359 : i32
        %swap3A_361 = arith.index_cast %add3A_360 : i32 to index
        %swap3A_362 = tpu.vector_load %arg4[%swap3A_361] {strides = array<i32>} : memref<32768xf32, #tpu.memory_space<vmem>>, vector<16xf32>,
        %swap3A_363 = vector.shape_cast %swap3A_362 : vector<16xf32> to vector<16xf32>
        %swap3A_364 = vector.shape_cast %select_n3A_358 : vector<16xf32> to vector<16xf32>
        tpu.vector_store %arg4[%swap3A_361], %swap3A_364 {strides = array<i32>} : memref<32768xf32, #tpu.memory_space<vmem>>, vector<16xf32>,
        %add3A_365 = arith.constant 96 : i32
        %add3A_366 = arith.addi %mul3A_275, %add3A_365 : i32
        %get3A_367 = arith.index_cast %add3A_366 : i32 to index
        %get3A_368 = tpu.vector_load %arg4[%get3A_367] {strides = array<i32>} : memref<32768xf32, #tpu.memory_space<vmem>>, vector<16xf32>,
        %get3A_369 = vector.shape_cast %get3A_368 : vector<16xf32> to vector<16xf32>
        %ge3A_370 = arith.cmpf oge, %get3A_369, %bitcast_convert_type3A_202 : vector<16xf32>
        %jit3A_371 = arith.constant 0.000000e+00 : f32
        %broadcast_in_dim3A_372 = vector.broadcast %jit3A_371 : f32 to vector<16xf32>
        %select_n3A_373 = arith.select %ge3A_370, %get3A_369, %broadcast_in_dim3A_372 : vector<16xi1>, vector<16xf32>
        %add3A_374 = arith.constant 96 : i32
        %add3A_375 = arith.addi %mul3A_275, %add3A_374 : i32
        %swap3A_376 = arith.index_cast %add3A_375 : i32 to index
        %swap3A_377 = tpu.vector_load %arg4[%swap3A_376] {strides = array<i32>} : memref<32768xf32, #tpu.memory_space<vmem>>, vector<16xf32>,
        %swap3A_378 = vector.shape_cast %swap3A_377 : vector<16xf32> to vector<16xf32>
        %swap3A_379 = vector.shape_cast %select_n3A_373 : vector<16xf32> to vector<16xf32>
        tpu.vector_store %arg4[%swap3A_376], %swap3A_379 {strides = array<i32>} : memref<32768xf32, #tpu.memory_space<vmem>>, vector<16xf32>,
        %add3A_380 = arith.constant 112 : i32
        %add3A_381 = arith.addi %mul3A_275, %add3A_380 : i32
        %get3A_382 = arith.index_cast %add3A_381 : i32 to index
        %get3A_383 = tpu.vector_load %arg4[%get3A_382] {strides = array<i32>} : memref<32768xf32, #tpu.memory_space<vmem>>, vector<16xf32>,
        %get3A_384 = vector.shape_cast %get3A_383 : vector<16xf32> to vector<16xf32>
        %ge3A_385 = arith.cmpf oge, %get3A_384, %bitcast_convert_type3A_202 : vector<16xf32>
        %jit3A_386 = arith.constant 0.000000e+00 : f32
        %broadcast_in_dim3A_387 = vector.broadcast %jit3A_386 : f32 to vector<16xf32>
        %select_n3A_388 = arith.select %ge3A_385, %get3A_384, %broadcast_in_dim3A_387 : vector<16xi1>, vector<16xf32>
        %add3A_389 = arith.constant 112 : i32
        %add3A_390 = arith.addi %mul3A_275, %add3A_389 : i32
        %swap3A_391 = arith.index_cast %add3A_390 : i32 to index
        %swap3A_392 = tpu.vector_load %arg4[%swap3A_391] {strides = array<i32>} : memref<32768xf32, #tpu.memory_space<vmem>>, vector<16xf32>,
        %swap3A_393 = vector.shape_cast %swap3A_392 : vector<16xf32> to vector<16xf32>
        %swap3A_394 = vector.shape_cast %select_n3A_388 : vector<16xf32> to vector<16xf32>
        tpu.vector_store %arg4[%swap3A_391], %swap3A_394 {strides = array<i32>} : memref<32768xf32, #tpu.memory_space<vmem>>, vector<16xf32>,
        %scan3A_395 = arith.constant 0 : i32
        scf.yield %scan3A_395 : i32
      }
      %scan3A_251 = arith.constant 256 : i32
      %sub3A_252 = arith.subi %add3A_244, %sub3A_194 : vector<16xi32>
      %slice3A = vector.extract_strided_slice %sub3A_252 {offsets = [0], sizes = [1], strides = [1]} : vector<16xi32> to vector<1xi32>
      %squeeze3A = vector.extract %slice3A[0] : i32 from vector<1xi32>
      %gt3A_253 = arith.constant 0 : i32
      %gt3A_254 = arith.cmpi sgt, %squeeze3A, %gt3A_253 : i32
      %jit3A = arith.constant 2048 : i32
      %jit3A_255 = arith.constant 0 : i32
      %select_n3A_256 = arith.select %gt3A_254, %jit3A, %jit3A_255 : i32
      %iota3A_257 = tpu.iota {dimensions = array<i32: 0>} : vector<16xi32>
      %while3A_258 = arith.constant 0 : i32
      %while3A_259 = arith.subi %select_n3A_256, %while3A_258 : i32
      %while3A_260 = arith.addi %while3A_258, %while3A_259 : i32
      %while3A_261 = arith.constant 1 : i32
      %while3A_262 = arith.divsi %while3A_259, %while3A_261 : i32
      %while3A_263 = arith.muli %while3A_262, %while3A_261 : i32
      %while3A_264 = arith.addi %while3A_258, %while3A_263 : i32
      %while3A_265 = arith.constant 1 : i32
      %while3A_266 = scf.for %while3A_270 = %while3A_258 to %while3A_264 step %while3A_265 iter_args(%while3A_271 = %sub3A_194) -> (vector<16xi32>)  : i32 {
        %mul3A_272 = arith.constant 16 : i32
        %mul3A_273 = arith.muli %while3A_270, %mul3A_272 : i32
        %get3A_274 = arith.index_cast %mul3A_273 : i32 to index
        %get3A_275 = tpu.vector_load %arg4[%get3A_274] {strides = array<i32>} : memref<32768xf32, #tpu.memory_space<vmem>>, vector<16xf32>,
        %get3A_276 = vector.shape_cast %get3A_275 : vector<16xf32> to vector<16xf32>
        %eq3A = arith.cmpf oeq, %get3A_276, %bitcast_convert_type3A_202 : vector<16xf32>
        %broadcast_in_dim3A_277 = arith.constant 1 : i32
        %broadcast_in_dim3A_278 = vector.broadcast %broadcast_in_dim3A_277 : i32 to vector<16xi32>
        %broadcast_in_dim3A_279 = arith.constant 0 : i32
        %broadcast_in_dim3A_280 = vector.broadcast %broadcast_in_dim3A_279 : i32 to vector<16xi32>
        %select_n3A_281 = arith.select %eq3A, %broadcast_in_dim3A_278, %broadcast_in_dim3A_280 : vector<16xi1>, vector<16xi32>
        %sub3A_282 = arith.constant 1 : i32
        %sub3A_283 = vector.broadcast %sub3A_282 : i32 to vector<16xi32>
        %sub3A_284 = arith.subi %iota3A_257, %sub3A_283 : vector<16xi32>
        %broadcast_in_dim3A_285 = arith.constant 0 : i32
        %broadcast_in_dim3A_286 = vector.broadcast %broadcast_in_dim3A_285 : i32 to vector<16xi32>
        %max3A_287 = arith.maxsi %sub3A_284, %broadcast_in_dim3A_286 : vector<16xi32>
        %reshape3A_288 = vector.shape_cast %max3A_287 : vector<16xi32> to vector<16x1xi32>
        %gather3A_289 = vector.shape_cast %reshape3A_288 : vector<16x1xi32> to vector<16xi32>
        %gather3A_290 = tpu.dynamic_gather %select_n3A_281[%gather3A_289] in [0] : vector<16xi32>, vector<16xi32> -> vector<16xi32>
        %ge3A_291 = arith.constant 1 : i32
        %ge3A_292 = vector.broadcast %ge3A_291 : i32 to vector<16xi32>
        %ge3A_293 = arith.cmpi sge, %iota3A_257, %ge3A_292 : vector<16xi32>
        %broadcast_in_dim3A_294 = arith.constant 0 : i32
        %broadcast_in_dim3A_295 = vector.broadcast %broadcast_in_dim3A_294 : i32 to vector<16xi32>
        %select_n3A_296 = arith.select %ge3A_293, %gather3A_290, %broadcast_in_dim3A_295 : vector<16xi1>, vector<16xi32>
        %add3A_297 = arith.addi %select_n3A_281, %select_n3A_296 : vector<16xi32>
        %sub3A_298 = arith.constant 2 : i32
        %sub3A_299 = vector.broadcast %sub3A_298 : i32 to vector<16xi32>
        %sub3A_300 = arith.subi %iota3A_257, %sub3A_299 : vector<16xi32>
        %broadcast_in_dim3A_301 = arith.constant 0 : i32
        %broadcast_in_dim3A_302 = vector.broadcast %broadcast_in_dim3A_301 : i32 to vector<16xi32>
        %max3A_303 = arith.maxsi %sub3A_300, %broadcast_in_dim3A_302 : vector<16xi32>
        %reshape3A_304 = vector.shape_cast %max3A_303 : vector<16xi32> to vector<16x1xi32>
        %gather3A_305 = vector.shape_cast %reshape3A_304 : vector<16x1xi32> to vector<16xi32>
        %gather3A_306 = tpu.dynamic_gather %add3A_297[%gather3A_305] in [0] : vector<16xi32>, vector<16xi32> -> vector<16xi32>
        %ge3A_307 = arith.constant 2 : i32
        %ge3A_308 = vector.broadcast %ge3A_307 : i32 to vector<16xi32>
        %ge3A_309 = arith.cmpi sge, %iota3A_257, %ge3A_308 : vector<16xi32>
        %broadcast_in_dim3A_310 = arith.constant 0 : i32
        %broadcast_in_dim3A_311 = vector.broadcast %broadcast_in_dim3A_310 : i32 to vector<16xi32>
        %select_n3A_312 = arith.select %ge3A_309, %gather3A_306, %broadcast_in_dim3A_311 : vector<16xi1>, vector<16xi32>
        %add3A_313 = arith.addi %add3A_297, %select_n3A_312 : vector<16xi32>
        %sub3A_314 = arith.constant 4 : i32
        %sub3A_315 = vector.broadcast %sub3A_314 : i32 to vector<16xi32>
        %sub3A_316 = arith.subi %iota3A_257, %sub3A_315 : vector<16xi32>
        %broadcast_in_dim3A_317 = arith.constant 0 : i32
        %broadcast_in_dim3A_318 = vector.broadcast %broadcast_in_dim3A_317 : i32 to vector<16xi32>
        %max3A_319 = arith.maxsi %sub3A_316, %broadcast_in_dim3A_318 : vector<16xi32>
        %reshape3A_320 = vector.shape_cast %max3A_319 : vector<16xi32> to vector<16x1xi32>
        %gather3A_321 = vector.shape_cast %reshape3A_320 : vector<16x1xi32> to vector<16xi32>
        %gather3A_322 = tpu.dynamic_gather %add3A_313[%gather3A_321] in [0] : vector<16xi32>, vector<16xi32> -> vector<16xi32>
        %ge3A_323 = arith.constant 4 : i32
        %ge3A_324 = vector.broadcast %ge3A_323 : i32 to vector<16xi32>
        %ge3A_325 = arith.cmpi sge, %iota3A_257, %ge3A_324 : vector<16xi32>
        %broadcast_in_dim3A_326 = arith.constant 0 : i32
        %broadcast_in_dim3A_327 = vector.broadcast %broadcast_in_dim3A_326 : i32 to vector<16xi32>
        %select_n3A_328 = arith.select %ge3A_325, %gather3A_322, %broadcast_in_dim3A_327 : vector<16xi1>, vector<16xi32>
        %add3A_329 = arith.addi %add3A_313, %select_n3A_328 : vector<16xi32>
        %sub3A_330 = arith.constant 8 : i32
        %sub3A_331 = vector.broadcast %sub3A_330 : i32 to vector<16xi32>
        %sub3A_332 = arith.subi %iota3A_257, %sub3A_331 : vector<16xi32>
        %broadcast_in_dim3A_333 = arith.constant 0 : i32
        %broadcast_in_dim3A_334 = vector.broadcast %broadcast_in_dim3A_333 : i32 to vector<16xi32>
        %max3A_335 = arith.maxsi %sub3A_332, %broadcast_in_dim3A_334 : vector<16xi32>
        %reshape3A_336 = vector.shape_cast %max3A_335 : vector<16xi32> to vector<16x1xi32>
        %gather3A_337 = vector.shape_cast %reshape3A_336 : vector<16x1xi32> to vector<16xi32>
        %gather3A_338 = tpu.dynamic_gather %add3A_329[%gather3A_337] in [0] : vector<16xi32>, vector<16xi32> -> vector<16xi32>
        %ge3A_339 = arith.constant 8 : i32
        %ge3A_340 = vector.broadcast %ge3A_339 : i32 to vector<16xi32>
        %ge3A_341 = arith.cmpi sge, %iota3A_257, %ge3A_340 : vector<16xi32>
        %broadcast_in_dim3A_342 = arith.constant 0 : i32
        %broadcast_in_dim3A_343 = vector.broadcast %broadcast_in_dim3A_342 : i32 to vector<16xi32>
        %select_n3A_344 = arith.select %ge3A_341, %gather3A_338, %broadcast_in_dim3A_343 : vector<16xi1>, vector<16xi32>
        %add3A_345 = arith.addi %add3A_329, %select_n3A_344 : vector<16xi32>
        %sub3A_346 = arith.subi %add3A_345, %select_n3A_281 : vector<16xi32>
        %ge3A_347 = arith.cmpi sge, %sub3A_346, %while3A_271 : vector<16xi32>
        %broadcast_in_dim3A_348 = arith.constant 1 : i32
        %broadcast_in_dim3A_349 = vector.broadcast %broadcast_in_dim3A_348 : i32 to vector<16xi32>
        %broadcast_in_dim3A_350 = arith.constant 0 : i32
        %broadcast_in_dim3A_351 = vector.broadcast %broadcast_in_dim3A_350 : i32 to vector<16xi32>
        %select_n3A_352 = arith.select %ge3A_347, %broadcast_in_dim3A_349, %broadcast_in_dim3A_351 : vector<16xi1>, vector<16xi32>
        %mul3A_353 = arith.muli %select_n3A_281, %select_n3A_352 : vector<16xi32>
        %gt3A_354 = arith.constant 0 : i32
        %gt3A_355 = vector.broadcast %gt3A_354 : i32 to vector<16xi32>
        %gt3A_356 = arith.cmpi sgt, %mul3A_353, %gt3A_355 : vector<16xi32>
        %jit3A_357 = arith.constant 0.000000e+00 : f32
        %broadcast_in_dim3A_358 = vector.broadcast %jit3A_357 : f32 to vector<16xf32>
        %select_n3A_359 = arith.select %gt3A_356, %broadcast_in_dim3A_358, %get3A_276 : vector<16xi1>, vector<16xf32>
        %mul3A_360 = arith.constant 16 : i32
        %mul3A_361 = arith.muli %while3A_270, %mul3A_360 : i32
        %swap3A = arith.index_cast %mul3A_361 : i32 to index
        %swap3A_362 = tpu.vector_load %arg4[%swap3A] {strides = array<i32>} : memref<32768xf32, #tpu.memory_space<vmem>>, vector<16xf32>,
        %swap3A_363 = vector.shape_cast %swap3A_362 : vector<16xf32> to vector<16xf32>
        %swap3A_364 = vector.shape_cast %select_n3A_359 : vector<16xf32> to vector<16xf32>
        tpu.vector_store %arg4[%swap3A], %swap3A_364 {strides = array<i32>} : memref<32768xf32, #tpu.memory_space<vmem>>, vector<16xf32>,
        %iota3A_365 = tpu.iota {dimensions = array<i32: 0>} : vector<16xi32>
        %xor3A_366 = arith.constant 1 : i32
        %xor3A_367 = vector.broadcast %xor3A_366 : i32 to vector<16xi32>
        %xor3A_368 = arith.xori %iota3A_365, %xor3A_367 : vector<16xi32>
        %reshape3A_369 = vector.shape_cast %xor3A_368 : vector<16xi32> to vector<16x1xi32>
        %gather3A_370 = vector.shape_cast %reshape3A_369 : vector<16x1xi32> to vector<16xi32>
        %gather3A_371 = tpu.dynamic_gather %select_n3A_281[%gather3A_370] in [0] : vector<16xi32>, vector<16xi32> -> vector<16xi32>
        %add3A_372 = arith.addi %select_n3A_281, %gather3A_371 : vector<16xi32>
        %xor3A_373 = arith.constant 2 : i32
        %xor3A_374 = vector.broadcast %xor3A_373 : i32 to vector<16xi32>
        %xor3A_375 = arith.xori %iota3A_365, %xor3A_374 : vector<16xi32>
        %reshape3A_376 = vector.shape_cast %xor3A_375 : vector<16xi32> to vector<16x1xi32>
        %gather3A_377 = vector.shape_cast %reshape3A_376 : vector<16x1xi32> to vector<16xi32>
        %gather3A_378 = tpu.dynamic_gather %add3A_372[%gather3A_377] in [0] : vector<16xi32>, vector<16xi32> -> vector<16xi32>
        %add3A_379 = arith.addi %add3A_372, %gather3A_378 : vector<16xi32>
        %xor3A_380 = arith.constant 4 : i32
        %xor3A_381 = vector.broadcast %xor3A_380 : i32 to vector<16xi32>
        %xor3A_382 = arith.xori %iota3A_365, %xor3A_381 : vector<16xi32>
        %reshape3A_383 = vector.shape_cast %xor3A_382 : vector<16xi32> to vector<16x1xi32>
        %gather3A_384 = vector.shape_cast %reshape3A_383 : vector<16x1xi32> to vector<16xi32>
        %gather3A_385 = tpu.dynamic_gather %add3A_379[%gather3A_384] in [0] : vector<16xi32>, vector<16xi32> -> vector<16xi32>
        %add3A_386 = arith.addi %add3A_379, %gather3A_385 : vector<16xi32>
        %xor3A_387 = arith.constant 8 : i32
        %xor3A_388 = vector.broadcast %xor3A_387 : i32 to vector<16xi32>
        %xor3A_389 = arith.xori %iota3A_365, %xor3A_388 : vector<16xi32>
        %reshape3A_390 = vector.shape_cast %xor3A_389 : vector<16xi32> to vector<16x1xi32>
        %gather3A_391 = vector.shape_cast %reshape3A_390 : vector<16x1xi32> to vector<16xi32>
        %gather3A_392 = tpu.dynamic_gather %add3A_386[%gather3A_391] in [0] : vector<16xi32>, vector<16xi32> -> vector<16xi32>
        %add3A_393 = arith.addi %add3A_386, %gather3A_392 : vector<16xi32>
        %sub3A_394 = arith.subi %while3A_271, %add3A_393 : vector<16xi32>
        scf.yield %sub3A_394 : vector<16xi32>
      }
      %while3A_267 = arith.constant 1 : i32
      %while3A_268 = scf.for %while3A_270 = %while3A_264 to %while3A_260 step %while3A_267 iter_args(%while3A_271 = %while3A_266) -> (vector<16xi32>)  : i32 {
        %mul3A_272 = arith.constant 16 : i32
        %mul3A_273 = arith.muli %while3A_270, %mul3A_272 : i32
        %get3A_274 = arith.index_cast %mul3A_273 : i32 to index
        %get3A_275 = tpu.vector_load %arg4[%get3A_274] {strides = array<i32>} : memref<32768xf32, #tpu.memory_space<vmem>>, vector<16xf32>,
        %get3A_276 = vector.shape_cast %get3A_275 : vector<16xf32> to vector<16xf32>
        %eq3A = arith.cmpf oeq, %get3A_276, %bitcast_convert_type3A_202 : vector<16xf32>
        %broadcast_in_dim3A_277 = arith.constant 1 : i32
        %broadcast_in_dim3A_278 = vector.broadcast %broadcast_in_dim3A_277 : i32 to vector<16xi32>
        %broadcast_in_dim3A_279 = arith.constant 0 : i32
        %broadcast_in_dim3A_280 = vector.broadcast %broadcast_in_dim3A_279 : i32 to vector<16xi32>
        %select_n3A_281 = arith.select %eq3A, %broadcast_in_dim3A_278, %broadcast_in_dim3A_280 : vector<16xi1>, vector<16xi32>
        %sub3A_282 = arith.constant 1 : i32
        %sub3A_283 = vector.broadcast %sub3A_282 : i32 to vector<16xi32>
        %sub3A_284 = arith.subi %iota3A_257, %sub3A_283 : vector<16xi32>
        %broadcast_in_dim3A_285 = arith.constant 0 : i32
        %broadcast_in_dim3A_286 = vector.broadcast %broadcast_in_dim3A_285 : i32 to vector<16xi32>
        %max3A_287 = arith.maxsi %sub3A_284, %broadcast_in_dim3A_286 : vector<16xi32>
        %reshape3A_288 = vector.shape_cast %max3A_287 : vector<16xi32> to vector<16x1xi32>
        %gather3A_289 = vector.shape_cast %reshape3A_288 : vector<16x1xi32> to vector<16xi32>
        %gather3A_290 = tpu.dynamic_gather %select_n3A_281[%gather3A_289] in [0] : vector<16xi32>, vector<16xi32> -> vector<16xi32>
        %ge3A_291 = arith.constant 1 : i32
        %ge3A_292 = vector.broadcast %ge3A_291 : i32 to vector<16xi32>
        %ge3A_293 = arith.cmpi sge, %iota3A_257, %ge3A_292 : vector<16xi32>
        %broadcast_in_dim3A_294 = arith.constant 0 : i32
        %broadcast_in_dim3A_295 = vector.broadcast %broadcast_in_dim3A_294 : i32 to vector<16xi32>
        %select_n3A_296 = arith.select %ge3A_293, %gather3A_290, %broadcast_in_dim3A_295 : vector<16xi1>, vector<16xi32>
        %add3A_297 = arith.addi %select_n3A_281, %select_n3A_296 : vector<16xi32>
        %sub3A_298 = arith.constant 2 : i32
        %sub3A_299 = vector.broadcast %sub3A_298 : i32 to vector<16xi32>
        %sub3A_300 = arith.subi %iota3A_257, %sub3A_299 : vector<16xi32>
        %broadcast_in_dim3A_301 = arith.constant 0 : i32
        %broadcast_in_dim3A_302 = vector.broadcast %broadcast_in_dim3A_301 : i32 to vector<16xi32>
        %max3A_303 = arith.maxsi %sub3A_300, %broadcast_in_dim3A_302 : vector<16xi32>
        %reshape3A_304 = vector.shape_cast %max3A_303 : vector<16xi32> to vector<16x1xi32>
        %gather3A_305 = vector.shape_cast %reshape3A_304 : vector<16x1xi32> to vector<16xi32>
        %gather3A_306 = tpu.dynamic_gather %add3A_297[%gather3A_305] in [0] : vector<16xi32>, vector<16xi32> -> vector<16xi32>
        %ge3A_307 = arith.constant 2 : i32
        %ge3A_308 = vector.broadcast %ge3A_307 : i32 to vector<16xi32>
        %ge3A_309 = arith.cmpi sge, %iota3A_257, %ge3A_308 : vector<16xi32>
        %broadcast_in_dim3A_310 = arith.constant 0 : i32
        %broadcast_in_dim3A_311 = vector.broadcast %broadcast_in_dim3A_310 : i32 to vector<16xi32>
        %select_n3A_312 = arith.select %ge3A_309, %gather3A_306, %broadcast_in_dim3A_311 : vector<16xi1>, vector<16xi32>
        %add3A_313 = arith.addi %add3A_297, %select_n3A_312 : vector<16xi32>
        %sub3A_314 = arith.constant 4 : i32
        %sub3A_315 = vector.broadcast %sub3A_314 : i32 to vector<16xi32>
        %sub3A_316 = arith.subi %iota3A_257, %sub3A_315 : vector<16xi32>
        %broadcast_in_dim3A_317 = arith.constant 0 : i32
        %broadcast_in_dim3A_318 = vector.broadcast %broadcast_in_dim3A_317 : i32 to vector<16xi32>
        %max3A_319 = arith.maxsi %sub3A_316, %broadcast_in_dim3A_318 : vector<16xi32>
        %reshape3A_320 = vector.shape_cast %max3A_319 : vector<16xi32> to vector<16x1xi32>
        %gather3A_321 = vector.shape_cast %reshape3A_320 : vector<16x1xi32> to vector<16xi32>
        %gather3A_322 = tpu.dynamic_gather %add3A_313[%gather3A_321] in [0] : vector<16xi32>, vector<16xi32> -> vector<16xi32>
        %ge3A_323 = arith.constant 4 : i32
        %ge3A_324 = vector.broadcast %ge3A_323 : i32 to vector<16xi32>
        %ge3A_325 = arith.cmpi sge, %iota3A_257, %ge3A_324 : vector<16xi32>
        %broadcast_in_dim3A_326 = arith.constant 0 : i32
        %broadcast_in_dim3A_327 = vector.broadcast %broadcast_in_dim3A_326 : i32 to vector<16xi32>
        %select_n3A_328 = arith.select %ge3A_325, %gather3A_322, %broadcast_in_dim3A_327 : vector<16xi1>, vector<16xi32>
        %add3A_329 = arith.addi %add3A_313, %select_n3A_328 : vector<16xi32>
        %sub3A_330 = arith.constant 8 : i32
        %sub3A_331 = vector.broadcast %sub3A_330 : i32 to vector<16xi32>
        %sub3A_332 = arith.subi %iota3A_257, %sub3A_331 : vector<16xi32>
        %broadcast_in_dim3A_333 = arith.constant 0 : i32
        %broadcast_in_dim3A_334 = vector.broadcast %broadcast_in_dim3A_333 : i32 to vector<16xi32>
        %max3A_335 = arith.maxsi %sub3A_332, %broadcast_in_dim3A_334 : vector<16xi32>
        %reshape3A_336 = vector.shape_cast %max3A_335 : vector<16xi32> to vector<16x1xi32>
        %gather3A_337 = vector.shape_cast %reshape3A_336 : vector<16x1xi32> to vector<16xi32>
        %gather3A_338 = tpu.dynamic_gather %add3A_329[%gather3A_337] in [0] : vector<16xi32>, vector<16xi32> -> vector<16xi32>
        %ge3A_339 = arith.constant 8 : i32
        %ge3A_340 = vector.broadcast %ge3A_339 : i32 to vector<16xi32>
        %ge3A_341 = arith.cmpi sge, %iota3A_257, %ge3A_340 : vector<16xi32>
        %broadcast_in_dim3A_342 = arith.constant 0 : i32
        %broadcast_in_dim3A_343 = vector.broadcast %broadcast_in_dim3A_342 : i32 to vector<16xi32>
        %select_n3A_344 = arith.select %ge3A_341, %gather3A_338, %broadcast_in_dim3A_343 : vector<16xi1>, vector<16xi32>
        %add3A_345 = arith.addi %add3A_329, %select_n3A_344 : vector<16xi32>
        %sub3A_346 = arith.subi %add3A_345, %select_n3A_281 : vector<16xi32>
        %ge3A_347 = arith.cmpi sge, %sub3A_346, %while3A_271 : vector<16xi32>
        %broadcast_in_dim3A_348 = arith.constant 1 : i32
        %broadcast_in_dim3A_349 = vector.broadcast %broadcast_in_dim3A_348 : i32 to vector<16xi32>
        %broadcast_in_dim3A_350 = arith.constant 0 : i32
        %broadcast_in_dim3A_351 = vector.broadcast %broadcast_in_dim3A_350 : i32 to vector<16xi32>
        %select_n3A_352 = arith.select %ge3A_347, %broadcast_in_dim3A_349, %broadcast_in_dim3A_351 : vector<16xi1>, vector<16xi32>
        %mul3A_353 = arith.muli %select_n3A_281, %select_n3A_352 : vector<16xi32>
        %gt3A_354 = arith.constant 0 : i32
        %gt3A_355 = vector.broadcast %gt3A_354 : i32 to vector<16xi32>
        %gt3A_356 = arith.cmpi sgt, %mul3A_353, %gt3A_355 : vector<16xi32>
        %jit3A_357 = arith.constant 0.000000e+00 : f32
        %broadcast_in_dim3A_358 = vector.broadcast %jit3A_357 : f32 to vector<16xf32>
        %select_n3A_359 = arith.select %gt3A_356, %broadcast_in_dim3A_358, %get3A_276 : vector<16xi1>, vector<16xf32>
        %mul3A_360 = arith.constant 16 : i32
        %mul3A_361 = arith.muli %while3A_270, %mul3A_360 : i32
        %swap3A = arith.index_cast %mul3A_361 : i32 to index
        %swap3A_362 = tpu.vector_load %arg4[%swap3A] {strides = array<i32>} : memref<32768xf32, #tpu.memory_space<vmem>>, vector<16xf32>,
        %swap3A_363 = vector.shape_cast %swap3A_362 : vector<16xf32> to vector<16xf32>
        %swap3A_364 = vector.shape_cast %select_n3A_359 : vector<16xf32> to vector<16xf32>
        tpu.vector_store %arg4[%swap3A], %swap3A_364 {strides = array<i32>} : memref<32768xf32, #tpu.memory_space<vmem>>, vector<16xf32>,
        %iota3A_365 = tpu.iota {dimensions = array<i32: 0>} : vector<16xi32>
        %xor3A_366 = arith.constant 1 : i32
        %xor3A_367 = vector.broadcast %xor3A_366 : i32 to vector<16xi32>
        %xor3A_368 = arith.xori %iota3A_365, %xor3A_367 : vector<16xi32>
        %reshape3A_369 = vector.shape_cast %xor3A_368 : vector<16xi32> to vector<16x1xi32>
        %gather3A_370 = vector.shape_cast %reshape3A_369 : vector<16x1xi32> to vector<16xi32>
        %gather3A_371 = tpu.dynamic_gather %select_n3A_281[%gather3A_370] in [0] : vector<16xi32>, vector<16xi32> -> vector<16xi32>
        %add3A_372 = arith.addi %select_n3A_281, %gather3A_371 : vector<16xi32>
        %xor3A_373 = arith.constant 2 : i32
        %xor3A_374 = vector.broadcast %xor3A_373 : i32 to vector<16xi32>
        %xor3A_375 = arith.xori %iota3A_365, %xor3A_374 : vector<16xi32>
        %reshape3A_376 = vector.shape_cast %xor3A_375 : vector<16xi32> to vector<16x1xi32>
        %gather3A_377 = vector.shape_cast %reshape3A_376 : vector<16x1xi32> to vector<16xi32>
        %gather3A_378 = tpu.dynamic_gather %add3A_372[%gather3A_377] in [0] : vector<16xi32>, vector<16xi32> -> vector<16xi32>
        %add3A_379 = arith.addi %add3A_372, %gather3A_378 : vector<16xi32>
        %xor3A_380 = arith.constant 4 : i32
        %xor3A_381 = vector.broadcast %xor3A_380 : i32 to vector<16xi32>
        %xor3A_382 = arith.xori %iota3A_365, %xor3A_381 : vector<16xi32>
        %reshape3A_383 = vector.shape_cast %xor3A_382 : vector<16xi32> to vector<16x1xi32>
        %gather3A_384 = vector.shape_cast %reshape3A_383 : vector<16x1xi32> to vector<16xi32>
        %gather3A_385 = tpu.dynamic_gather %add3A_379[%gather3A_384] in [0] : vector<16xi32>, vector<16xi32> -> vector<16xi32>
        %add3A_386 = arith.addi %add3A_379, %gather3A_385 : vector<16xi32>
        %xor3A_387 = arith.constant 8 : i32
        %xor3A_388 = vector.broadcast %xor3A_387 : i32 to vector<16xi32>
        %xor3A_389 = arith.xori %iota3A_365, %xor3A_388 : vector<16xi32>
        %reshape3A_390 = vector.shape_cast %xor3A_389 : vector<16xi32> to vector<16x1xi32>
        %gather3A_391 = vector.shape_cast %reshape3A_390 : vector<16x1xi32> to vector<16xi32>
        %gather3A_392 = tpu.dynamic_gather %add3A_386[%gather3A_391] in [0] : vector<16xi32>, vector<16xi32> -> vector<16xi32>
        %add3A_393 = arith.addi %add3A_386, %gather3A_392 : vector<16xi32>
        %sub3A_394 = arith.subi %while3A_271, %add3A_393 : vector<16xi32>
        scf.yield %sub3A_394 : vector<16xi32>
      }
      "tpu.region"() ({
        %run_scoped3A = tpu.sem_alloc : memref<!tpu.dma_semaphore, #tpu.memory_space<semaphore_mem>>
        %dma_start3A = tpu.memref_slice %arg3[%mul3A_13] : memref<2097152xf32, #tpu.memory_space<hbm>> -> memref<32768xf32, #tpu.memory_space<hbm>>
        %dma_start3A_270 = tpu.memref_slice %arg3[%mul3A_13] : memref<2097152xf32, #tpu.memory_space<hbm>> -> memref<32768xf32, #tpu.memory_space<hbm>>
        tpu.enqueue_dma source(%arg4 : memref<32768xf32, #tpu.memory_space<vmem>>) target(%dma_start3A_270 : memref<32768xf32, #tpu.memory_space<hbm>>) target_semaphore(%run_scoped3A : memref<!tpu.dma_semaphore, #tpu.memory_space<semaphore_mem>>)
        %dma_wait3A = tpu.memref_slice %arg3[%mul3A_13] : memref<2097152xf32, #tpu.memory_space<hbm>> -> memref<32768xf32, #tpu.memory_space<hbm>>
        %dma_wait3A_271 = tpu.memref_slice %arg3[%mul3A_13] : memref<2097152xf32, #tpu.memory_space<hbm>> -> memref<32768xf32, #tpu.memory_space<hbm>>
        tpu.wait_dma2 semaphore(%run_scoped3A : memref<!tpu.dma_semaphore, #tpu.memory_space<semaphore_mem>>) src(%arg4 : memref<32768xf32, #tpu.memory_space<vmem>>) dst(%dma_wait3A_271 : memref<32768xf32, #tpu.memory_space<hbm>>)
        tpu.yield
      }) : () -> ()
      %scan3A_269 = arith.constant 0 : i32
      scf.yield %scan3A_269 : i32
    }
    %scan3A_6 = arith.constant 2 : i32
    return
  }
}

module attributes {stable_mosaic.version = 14 : i64} {
  func.func @_tc_body(%arg0: i32, %arg1: memref<8x32768xf32, #tpu.memory_space<vmem>>, %arg2: memref<8x32768xf32, #tpu.memory_space<vmem>>) attributes {dimension_semantics = [#tpu.dimension_semantics<arbitrary>], iteration_bounds = array<i64: 8>, scalar_prefetch = 0 : i64, scratch_operands = 0 : i64, tpu.core_type = #tpu.core_type<tc>, window_params = [{transform_indices = @transform_0, window_bounds = array<i64: 8, 32768>}, {transform_indices = @transform_1, window_bounds = array<i64: 8, 32768>}]} {
    %get3A = arith.constant 0 : index
    %get3A_0 = arith.constant 0 : index
    %get3A_1 = vector.load %arg1[%get3A, %get3A_0] : memref<8x32768xf32, #tpu.memory_space<vmem>>, vector<8x32768xf32>
    %bitcast_convert_type3A = tpu.bitcast %get3A_1 : vector<8x32768xf32> -> vector<8x32768xi32>
    %ge3A = arith.constant 0 : i32
    %ge3A_2 = vector.broadcast %ge3A : i32 to vector<8x32768xi32>
    %ge3A_3 = arith.cmpi sge, %bitcast_convert_type3A, %ge3A_2 : vector<8x32768xi32>
    %sub3A = arith.constant -2147483648 : i32
    %sub3A_4 = vector.broadcast %sub3A : i32 to vector<8x32768xi32>
    %sub3A_5 = arith.subi %sub3A_4, %bitcast_convert_type3A : vector<8x32768xi32>
    %select_n3A = arith.select %ge3A_3, %bitcast_convert_type3A, %sub3A_5 : vector<8x32768xi1>, vector<8x32768xi32>
    %broadcast_in_dim3A = arith.constant -2147483648 : i32
    %broadcast_in_dim3A_6 = vector.broadcast %broadcast_in_dim3A : i32 to vector<8x1xi32>
    %broadcast_in_dim3A_7 = arith.constant 2147483647 : i32
    %broadcast_in_dim3A_8 = vector.broadcast %broadcast_in_dim3A_7 : i32 to vector<8x1xi32>
    %scan3A = arith.constant 0 : i32
    %scan3A_9 = arith.constant 32 : i32
    %scan3A_10 = arith.addi %scan3A, %scan3A_9 : i32
    %scan3A_11 = arith.constant 1 : i32
    %scan3A_12:2 = scf.for %scan3A_99 = %scan3A to %scan3A_10 step %scan3A_11 iter_args(%scan3A_100 = %broadcast_in_dim3A_6, %scan3A_101 = %broadcast_in_dim3A_8) -> (vector<8x1xi32>, vector<8x1xi32>)  : i32 {
      %shift_right_arithmetic3A = arith.constant 1 : i32
      %shift_right_arithmetic3A_102 = vector.broadcast %shift_right_arithmetic3A : i32 to vector<8x1xi32>
      %shift_right_arithmetic3A_103 = arith.shrsi %scan3A_100, %shift_right_arithmetic3A_102 : vector<8x1xi32>
      %shift_right_arithmetic3A_104 = arith.constant 1 : i32
      %shift_right_arithmetic3A_105 = vector.broadcast %shift_right_arithmetic3A_104 : i32 to vector<8x1xi32>
      %shift_right_arithmetic3A_106 = arith.shrsi %scan3A_101, %shift_right_arithmetic3A_105 : vector<8x1xi32>
      %add3A_107 = arith.addi %shift_right_arithmetic3A_103, %shift_right_arithmetic3A_106 : vector<8x1xi32>
      %and3A_108 = arith.andi %scan3A_100, %scan3A_101 : vector<8x1xi32>
      %and3A_109 = arith.constant 1 : i32
      %and3A_110 = vector.broadcast %and3A_109 : i32 to vector<8x1xi32>
      %and3A_111 = arith.andi %and3A_108, %and3A_110 : vector<8x1xi32>
      %add3A_112 = arith.addi %add3A_107, %and3A_111 : vector<8x1xi32>
      %xor3A = arith.xori %scan3A_100, %scan3A_101 : vector<8x1xi32>
      %and3A_113 = arith.constant 1 : i32
      %and3A_114 = vector.broadcast %and3A_113 : i32 to vector<8x1xi32>
      %and3A_115 = arith.andi %xor3A, %and3A_114 : vector<8x1xi32>
      %add3A_116 = arith.addi %add3A_112, %and3A_115 : vector<8x1xi32>
      %ge3A_117 = vector.broadcast %add3A_116 : vector<8x1xi32> to vector<8x32768xi32>
      %ge3A_118 = arith.cmpi sge, %select_n3A, %ge3A_117 : vector<8x32768xi32>
      %convert_element_type3A_119 = arith.extui %ge3A_118 : vector<8x32768xi1> to vector<8x32768xi32>
      %reduce_sum3A_120 = arith.constant dense<0> : vector<8xi32>
      %reduce_sum3A_121 = vector.multi_reduction <add>, %convert_element_type3A_119, %reduce_sum3A_120 [1] : vector<8x32768xi32> to vector<8xi32>
      %broadcast_in_dim3A_122 = vector.shape_cast %reduce_sum3A_121 : vector<8xi32> to vector<8x1xi32>
      %ge3A_123 = arith.constant 64 : i32
      %ge3A_124 = vector.broadcast %ge3A_123 : i32 to vector<8x1xi32>
      %ge3A_125 = arith.cmpi sge, %broadcast_in_dim3A_122, %ge3A_124 : vector<8x1xi32>
      %select_n3A_126 = arith.select %ge3A_125, %add3A_116, %scan3A_100 : vector<8x1xi1>, vector<8x1xi32>
      %sub3A_127 = arith.constant 1 : i32
      %sub3A_128 = vector.broadcast %sub3A_127 : i32 to vector<8x1xi32>
      %sub3A_129 = arith.subi %add3A_116, %sub3A_128 : vector<8x1xi32>
      %select_n3A_130 = arith.select %ge3A_125, %scan3A_101, %sub3A_129 : vector<8x1xi1>, vector<8x1xi32>
      scf.yield %select_n3A_126, %select_n3A_130 : vector<8x1xi32>, vector<8x1xi32>
    }
    %gt3A = vector.broadcast %scan3A_12#0 : vector<8x1xi32> to vector<8x32768xi32>
    %gt3A_13 = arith.cmpi sgt, %select_n3A, %gt3A : vector<8x32768xi32>
    %eq3A = vector.broadcast %scan3A_12#0 : vector<8x1xi32> to vector<8x32768xi32>
    %eq3A_14 = arith.cmpi eq, %select_n3A, %eq3A : vector<8x32768xi32>
    %convert_element_type3A = arith.extui %gt3A_13 : vector<8x32768xi1> to vector<8x32768xi32>
    %reduce_sum3A = arith.constant dense<0> : vector<8xi32>
    %reduce_sum3A_15 = vector.multi_reduction <add>, %convert_element_type3A, %reduce_sum3A [1] : vector<8x32768xi32> to vector<8xi32>
    %broadcast_in_dim3A_16 = vector.shape_cast %reduce_sum3A_15 : vector<8xi32> to vector<8x1xi32>
    %sub3A_17 = arith.constant 64 : i32
    %sub3A_18 = vector.broadcast %sub3A_17 : i32 to vector<8x1xi32>
    %sub3A_19 = arith.subi %sub3A_18, %broadcast_in_dim3A_16 : vector<8x1xi32>
    %convert_element_type3A_20 = arith.extui %eq3A_14 : vector<8x32768xi1> to vector<8x32768xi32>
    %broadcast_in_dim3A_21 = arith.constant 0 : i32
    %broadcast_in_dim3A_22 = vector.broadcast %broadcast_in_dim3A_21 : i32 to vector<8x1xi32>
    %slice3A = vector.extract_strided_slice %convert_element_type3A_20 {offsets = [0, 0], sizes = [8, 32767], strides = [1, 1]} : vector<8x32768xi32> to vector<8x32767xi32>
    %concatenate3A = tpu.concatenate %broadcast_in_dim3A_22, %slice3A in 1 : vector<8x1xi32>, vector<8x32767xi32> -> vector<8x32768xi32>
    %add3A = arith.addi %convert_element_type3A_20, %concatenate3A : vector<8x32768xi32>
    %broadcast_in_dim3A_23 = arith.constant 0 : i32
    %broadcast_in_dim3A_24 = vector.broadcast %broadcast_in_dim3A_23 : i32 to vector<8x2xi32>
    %slice3A_25 = vector.extract_strided_slice %add3A {offsets = [0, 0], sizes = [8, 32766], strides = [1, 1]} : vector<8x32768xi32> to vector<8x32766xi32>
    %concatenate3A_26 = tpu.concatenate %broadcast_in_dim3A_24, %slice3A_25 in 1 : vector<8x2xi32>, vector<8x32766xi32> -> vector<8x32768xi32>
    %add3A_27 = arith.addi %add3A, %concatenate3A_26 : vector<8x32768xi32>
    %broadcast_in_dim3A_28 = arith.constant 0 : i32
    %broadcast_in_dim3A_29 = vector.broadcast %broadcast_in_dim3A_28 : i32 to vector<8x4xi32>
    %slice3A_30 = vector.extract_strided_slice %add3A_27 {offsets = [0, 0], sizes = [8, 32764], strides = [1, 1]} : vector<8x32768xi32> to vector<8x32764xi32>
    %concatenate3A_31 = tpu.concatenate %broadcast_in_dim3A_29, %slice3A_30 in 1 : vector<8x4xi32>, vector<8x32764xi32> -> vector<8x32768xi32>
    %add3A_32 = arith.addi %add3A_27, %concatenate3A_31 : vector<8x32768xi32>
    %broadcast_in_dim3A_33 = arith.constant 0 : i32
    %broadcast_in_dim3A_34 = vector.broadcast %broadcast_in_dim3A_33 : i32 to vector<8x8xi32>
    %slice3A_35 = vector.extract_strided_slice %add3A_32 {offsets = [0, 0], sizes = [8, 32760], strides = [1, 1]} : vector<8x32768xi32> to vector<8x32760xi32>
    %concatenate3A_36 = tpu.concatenate %broadcast_in_dim3A_34, %slice3A_35 in 1 : vector<8x8xi32>, vector<8x32760xi32> -> vector<8x32768xi32>
    %add3A_37 = arith.addi %add3A_32, %concatenate3A_36 : vector<8x32768xi32>
    %broadcast_in_dim3A_38 = arith.constant 0 : i32
    %broadcast_in_dim3A_39 = vector.broadcast %broadcast_in_dim3A_38 : i32 to vector<8x16xi32>
    %slice3A_40 = vector.extract_strided_slice %add3A_37 {offsets = [0, 0], sizes = [8, 32752], strides = [1, 1]} : vector<8x32768xi32> to vector<8x32752xi32>
    %concatenate3A_41 = tpu.concatenate %broadcast_in_dim3A_39, %slice3A_40 in 1 : vector<8x16xi32>, vector<8x32752xi32> -> vector<8x32768xi32>
    %add3A_42 = arith.addi %add3A_37, %concatenate3A_41 : vector<8x32768xi32>
    %broadcast_in_dim3A_43 = arith.constant 0 : i32
    %broadcast_in_dim3A_44 = vector.broadcast %broadcast_in_dim3A_43 : i32 to vector<8x32xi32>
    %slice3A_45 = vector.extract_strided_slice %add3A_42 {offsets = [0, 0], sizes = [8, 32736], strides = [1, 1]} : vector<8x32768xi32> to vector<8x32736xi32>
    %concatenate3A_46 = tpu.concatenate %broadcast_in_dim3A_44, %slice3A_45 in 1 : vector<8x32xi32>, vector<8x32736xi32> -> vector<8x32768xi32>
    %add3A_47 = arith.addi %add3A_42, %concatenate3A_46 : vector<8x32768xi32>
    %broadcast_in_dim3A_48 = arith.constant 0 : i32
    %broadcast_in_dim3A_49 = vector.broadcast %broadcast_in_dim3A_48 : i32 to vector<8x64xi32>
    %slice3A_50 = vector.extract_strided_slice %add3A_47 {offsets = [0, 0], sizes = [8, 32704], strides = [1, 1]} : vector<8x32768xi32> to vector<8x32704xi32>
    %concatenate3A_51 = tpu.concatenate %broadcast_in_dim3A_49, %slice3A_50 in 1 : vector<8x64xi32>, vector<8x32704xi32> -> vector<8x32768xi32>
    %add3A_52 = arith.addi %add3A_47, %concatenate3A_51 : vector<8x32768xi32>
    %broadcast_in_dim3A_53 = arith.constant 0 : i32
    %broadcast_in_dim3A_54 = vector.broadcast %broadcast_in_dim3A_53 : i32 to vector<8x128xi32>
    %slice3A_55 = vector.extract_strided_slice %add3A_52 {offsets = [0, 0], sizes = [8, 32640], strides = [1, 1]} : vector<8x32768xi32> to vector<8x32640xi32>
    %concatenate3A_56 = tpu.concatenate %broadcast_in_dim3A_54, %slice3A_55 in 1 : vector<8x128xi32>, vector<8x32640xi32> -> vector<8x32768xi32>
    %add3A_57 = arith.addi %add3A_52, %concatenate3A_56 : vector<8x32768xi32>
    %broadcast_in_dim3A_58 = arith.constant 0 : i32
    %broadcast_in_dim3A_59 = vector.broadcast %broadcast_in_dim3A_58 : i32 to vector<8x256xi32>
    %slice3A_60 = vector.extract_strided_slice %add3A_57 {offsets = [0, 0], sizes = [8, 32512], strides = [1, 1]} : vector<8x32768xi32> to vector<8x32512xi32>
    %concatenate3A_61 = tpu.concatenate %broadcast_in_dim3A_59, %slice3A_60 in 1 : vector<8x256xi32>, vector<8x32512xi32> -> vector<8x32768xi32>
    %add3A_62 = arith.addi %add3A_57, %concatenate3A_61 : vector<8x32768xi32>
    %broadcast_in_dim3A_63 = arith.constant 0 : i32
    %broadcast_in_dim3A_64 = vector.broadcast %broadcast_in_dim3A_63 : i32 to vector<8x512xi32>
    %slice3A_65 = vector.extract_strided_slice %add3A_62 {offsets = [0, 0], sizes = [8, 32256], strides = [1, 1]} : vector<8x32768xi32> to vector<8x32256xi32>
    %concatenate3A_66 = tpu.concatenate %broadcast_in_dim3A_64, %slice3A_65 in 1 : vector<8x512xi32>, vector<8x32256xi32> -> vector<8x32768xi32>
    %add3A_67 = arith.addi %add3A_62, %concatenate3A_66 : vector<8x32768xi32>
    %broadcast_in_dim3A_68 = arith.constant 0 : i32
    %broadcast_in_dim3A_69 = vector.broadcast %broadcast_in_dim3A_68 : i32 to vector<8x1024xi32>
    %slice3A_70 = vector.extract_strided_slice %add3A_67 {offsets = [0, 0], sizes = [8, 31744], strides = [1, 1]} : vector<8x32768xi32> to vector<8x31744xi32>
    %concatenate3A_71 = tpu.concatenate %broadcast_in_dim3A_69, %slice3A_70 in 1 : vector<8x1024xi32>, vector<8x31744xi32> -> vector<8x32768xi32>
    %add3A_72 = arith.addi %add3A_67, %concatenate3A_71 : vector<8x32768xi32>
    %broadcast_in_dim3A_73 = arith.constant 0 : i32
    %broadcast_in_dim3A_74 = vector.broadcast %broadcast_in_dim3A_73 : i32 to vector<8x2048xi32>
    %slice3A_75 = vector.extract_strided_slice %add3A_72 {offsets = [0, 0], sizes = [8, 30720], strides = [1, 1]} : vector<8x32768xi32> to vector<8x30720xi32>
    %concatenate3A_76 = tpu.concatenate %broadcast_in_dim3A_74, %slice3A_75 in 1 : vector<8x2048xi32>, vector<8x30720xi32> -> vector<8x32768xi32>
    %add3A_77 = arith.addi %add3A_72, %concatenate3A_76 : vector<8x32768xi32>
    %broadcast_in_dim3A_78 = arith.constant 0 : i32
    %broadcast_in_dim3A_79 = vector.broadcast %broadcast_in_dim3A_78 : i32 to vector<8x4096xi32>
    %slice3A_80 = vector.extract_strided_slice %add3A_77 {offsets = [0, 0], sizes = [8, 28672], strides = [1, 1]} : vector<8x32768xi32> to vector<8x28672xi32>
    %concatenate3A_81 = tpu.concatenate %broadcast_in_dim3A_79, %slice3A_80 in 1 : vector<8x4096xi32>, vector<8x28672xi32> -> vector<8x32768xi32>
    %add3A_82 = arith.addi %add3A_77, %concatenate3A_81 : vector<8x32768xi32>
    %broadcast_in_dim3A_83 = arith.constant 0 : i32
    %broadcast_in_dim3A_84 = vector.broadcast %broadcast_in_dim3A_83 : i32 to vector<8x8192xi32>
    %slice3A_85 = vector.extract_strided_slice %add3A_82 {offsets = [0, 0], sizes = [8, 24576], strides = [1, 1]} : vector<8x32768xi32> to vector<8x24576xi32>
    %concatenate3A_86 = tpu.concatenate %broadcast_in_dim3A_84, %slice3A_85 in 1 : vector<8x8192xi32>, vector<8x24576xi32> -> vector<8x32768xi32>
    %add3A_87 = arith.addi %add3A_82, %concatenate3A_86 : vector<8x32768xi32>
    %broadcast_in_dim3A_88 = arith.constant 0 : i32
    %broadcast_in_dim3A_89 = vector.broadcast %broadcast_in_dim3A_88 : i32 to vector<8x16384xi32>
    %slice3A_90 = vector.extract_strided_slice %add3A_87 {offsets = [0, 0], sizes = [8, 16384], strides = [1, 1]} : vector<8x32768xi32> to vector<8x16384xi32>
    %concatenate3A_91 = tpu.concatenate %broadcast_in_dim3A_89, %slice3A_90 in 1 : vector<8x16384xi32>, vector<8x16384xi32> -> vector<8x32768xi32>
    %add3A_92 = arith.addi %add3A_87, %concatenate3A_91 : vector<8x32768xi32>
    %sub3A_93 = arith.subi %add3A_92, %convert_element_type3A_20 : vector<8x32768xi32>
    %lt3A = vector.broadcast %sub3A_19 : vector<8x1xi32> to vector<8x32768xi32>
    %lt3A_94 = arith.cmpi slt, %sub3A_93, %lt3A : vector<8x32768xi32>
    %and3A = arith.andi %eq3A_14, %lt3A_94 : vector<8x32768xi1>
    %or3A = arith.ori %gt3A_13, %and3A : vector<8x32768xi1>
    %jit3A = arith.constant 0.000000e+00 : f32
    %broadcast_in_dim3A_95 = vector.broadcast %jit3A : f32 to vector<8x32768xf32>
    %select_n3A_96 = arith.select %or3A, %get3A_1, %broadcast_in_dim3A_95 : vector<8x32768xi1>, vector<8x32768xf32>
    %swap3A = arith.constant 0 : index
    %swap3A_97 = arith.constant 0 : index
    %swap3A_98 = vector.load %arg2[%swap3A, %swap3A_97] : memref<8x32768xf32, #tpu.memory_space<vmem>>, vector<8x32768xf32>
    tpu.vector_store %arg2[%swap3A, %swap3A_97], %select_n3A_96 {strides = array<i32>} : memref<8x32768xf32, #tpu.memory_space<vmem>>, vector<8x32768xf32>,
    return
  }
  func.func @transform_0(%arg0: i32) -> (i32, i32) {
    %c0_i32 = arith.constant 0 : i32
    %c0_i32_0 = arith.constant 0 : i32
    return %arg0, %c0_i32 : i32, i32
  }
  func.func @transform_1(%arg0: i32) -> (i32, i32) {
    %c0_i32 = arith.constant 0 : i32
    %c0_i32_0 = arith.constant 0 : i32
    return %arg0, %c0_i32 : i32, i32
  }
}

</mosaic_0001>

<sc_bundles>
// kernel: kernel.4.cloned.1.call-start
scs
__scs_entry_jumppad:
0x0: {  	(pc) =	sbr.rel $0x88, $3  }
0x1: {  	(tag) =	ssettag $0x0;
	lr =	simm.s32 $0x1  }
0x2: {  	[smem:$0x3FA0] =	sst lr;
	_ =	strace $0xD0000000  }
0x3: {  	_ = 	snop  }
0x4: {  	_ = 	snop  }
0x5: {  	_ = 	snop  }
0x6: {  	_ = 	snop  }
0x7: {  	_ = 	snop  }
__scs_overlays_trampoline_lowered:
0x8: {  	[smem:$0x3FAF] =	sst s0  }
0x9: {  	[smem:$0x3FB0] =	sst s1  }
0xa: {  	[smem:$0x3FB1] =	sst s2  }
0xb: {  	[smem:$0x3FB2] =	sst s3  }
0xc: {  	[smem:$0x3FB3] =	sst s4  }
0xd: {  	[smem:$0x3FB4] =	sst s5  }
0xe: {  	[smem:$0x3FB5] =	sst s6  }
0xf: {  	[smem:$0x3FB6] =	sst s7  }
0x10: {  	[smem:$0x3FB7] =	sst s8  }
0x11: {  	[smem:$0x3FB8] =	sst s9;
	s0 =	simm.s32 @!p0 $0x0  }
0x12: {  	s1 =	sld [smem:$0x3F9E];
	s0 =	simm.s32 @p0 $0x1  }
0x13: {  	[smem:$0x3FB9] =	sst s0;
	s0 =	simm.s32 @!p1 $0x0  }
0x14: {  	s2 =	sld [smem:$0x3F9D];
	s0 =	simm.s32 @p1 $0x1  }
0x15: {  	[smem:$0x3FBA] =	sst s0;
	s0 =	simm.s32 @!p2 $0x0  }
0x16: {  	s3 =	sld [smem:$0x3FDB];
	s0 =	simm.s32 @p2 $0x1  }
0x17: {  	s4 =	simm.s32 $0x1BF5;
	[smem:$0x3FBC] =	sst s0  }
0x18: {  	s0 =	sld [smem:$0x3F9F];
	_ =	swait.ge [sflag:s4], $0x0  }
0x19: {  	s7 =	sld [smem:$0x3FA0]  }
0x1a: {  	s8 =	sadd.s32 $0xFFFFE003, lr  }
0x1b: {  	s9 =	sadd.s32 $0xFFFFFEF7, lr;
	s5 =	simm.s32 $0xFFFFFFFF;
	p2 =	slt.u32 s8, $0xFFFFF086  }
0x1c: {  	p1 =	slt.u32 s9, $0xF7A;
	s5 =	simm.s32 @!p2 $0x0  }
0x1d: {  	s5 =	simm.s32 @p1 $0x1;
	p0 =	seq.s32 s7, s2  }
0x1e: {  	s7 =	smul.u32 @!p0 $0xF7A, s2;
	p2 =	seq.s32 @!p0 s5, $0x0  }
0x1f: {  	s9 =	smul.u32 $0xF7A, s1;
	s8 =	simm.s32 @!p0 $0x1BF5;
	p2 =	por !p2, p0  }
0x20: {  	[sflag:s8] =	ssyncset.s32 @!p0 $0xFFFFF086;
	s6 =	sadd.s32 @!p0 s3, s7;
	s7 =	simm.s32 @!p0 $0x108  }
0x21: {  	s3 =	sadd.s32 s3, s9;
	s6 =	sadd.s32 @!p0 $0x88, s6;
	s7 =	simm.s32 @p2 $0x1082  }
0x22: {  	[simem:s7], [sflag:s8] =	dma.local @!p0 [hbm:s6], $0xF7A  }
0x23: {  	s9 =	sor.u32 $0xD0000000, s2;
	s6 =	simm.s32 $0x108;
	_ =	swait.ge @!p0 [sflag:s8], $0x0  }
0x24: {  	s3 =	sadd.s32 $0x88, s3;
	s6 =	simm.s32 @!p1 $0x1082;
	[sflag:s4] =	ssyncset.s32 $0xFFFFF086  }
0x25: {  	[simem:s6], [sflag:s4] =	dma.local [hbm:s3], $0xF7A  }
0x26: {  	[smem:$0x3FA0] =	sst s1;
	(tag) =	ssettag s2;
	_ =	strace s9  }
0x27: {  	s1 =	sld [smem:$0x3FB0]  }
0x28: {  	s2 =	sld [smem:$0x3FB1]  }
0x29: {  	s4 =	sld [smem:$0x3FB3]  }
0x2a: {  	p0 =	seq.s32 s5, $0x0;
	s5 =	sld [smem:$0x3FB4]  }
0x2b: {  	s6 =	sld [smem:$0x3FB5]  }
0x2c: {  	s7 =	sld [smem:$0x3FB6]  }
0x2d: {  	s3 =	simm.s32 $0x108;
	s8 =	sld [smem:$0x3FB7]  }
0x2e: {  	s3 =	simm.s32 @!p0 $0x1082;
	s9 =	sld [smem:$0x3FB8]  }
0x2f: {  	lr =	sadd.s32 s0, s3;
	s0 =	sld [smem:$0x3FAF]  }
0x30: {  	s3 =	sld [smem:$0x3FB2]  }
0x31: {  	[smem:$0x3FBB] =	sst s10  }
0x32: {  	s10 =	sld [smem:$0x3FB9];
	_ =	sdelay $0x3  }
0x33: {  	p0 =	seq.s32 s10, $0x1;
	s10 =	sld [smem:$0x3FBB];
	_ =	sdelay $0x3  }
0x34: {  	[smem:$0x3FBB] =	sst s10  }
0x35: {  	s10 =	sld [smem:$0x3FBA];
	_ =	sdelay $0x3  }
0x36: {  	p1 =	seq.s32 s10, $0x1;
	s10 =	sld [smem:$0x3FBB];
	_ =	sdelay $0x3  }
0x37: {  	[smem:$0x3FBB] =	sst s10  }
0x38: {  	s10 =	sld [smem:$0x3FBC]  }
0x39: {  	_ = 	snop;
	(pc) =	sbr.ind lr, $3  }
0x3a: {  	_ = 	snop  }
0x3b: {  	_ = 	snop  }
0x3c: {  	p2 =	seq.s32 s10, $0x1;
	s10 =	sld [smem:$0x3FBB]  }
0x3d: {  	_ =	shalt  }
0x3e: {  	_ =	shalt  }
0x3f: {  	_ =	shalt  }
0x40: {  	_ =	shalt  }
0x41: {  	_ =	shalt  }
0x42: {  	_ =	shalt  }
0x43: {  	_ =	shalt  }
0x44: {  	_ =	shalt  }
0x45: {  	_ =	shalt  }
0x46: {  	_ =	shalt  }
0x47: {  	_ =	shalt  }
0x48: {  	_ =	shalt  }
0x49: {  	_ =	shalt  }
0x4a: {  	_ =	shalt  }
0x4b: {  	_ =	shalt  }
0x4c: {  	_ =	shalt  }
0x4d: {  	_ =	shalt  }
0x4e: {  	_ =	shalt  }
0x4f: {  	_ =	shalt  }
0x50: {  	_ =	shalt  }
0x51: {  	_ =	shalt  }
0x52: {  	_ =	shalt  }
0x53: {  	_ =	shalt  }
0x54: {  	_ =	shalt  }
0x55: {  	_ =	shalt  }
0x56: {  	_ =	shalt  }
0x57: {  	_ =	shalt  }
0x58: {  	_ =	shalt  }
0x59: {  	_ =	shalt  }
0x5a: {  	_ =	shalt  }
0x5b: {  	_ =	shalt  }
0x5c: {  	_ =	shalt  }
0x5d: {  	_ =	shalt  }
0x5e: {  	_ =	shalt  }
0x5f: {  	_ =	shalt  }
0x60: {  	_ =	shalt  }
0x61: {  	_ =	shalt  }
0x62: {  	_ =	shalt  }
0x63: {  	_ =	shalt  }
0x64: {  	_ =	shalt  }
0x65: {  	_ =	shalt  }
0x66: {  	_ =	shalt  }
0x67: {  	_ =	shalt  }
0x68: {  	_ =	shalt  }
0x69: {  	_ =	shalt  }
0x6a: {  	_ =	shalt  }
0x6b: {  	_ =	shalt  }
0x6c: {  	_ =	shalt  }
0x6d: {  	_ =	shalt  }
0x6e: {  	_ =	shalt  }
0x6f: {  	_ =	shalt  }
0x70: {  	_ =	shalt  }
0x71: {  	_ =	shalt  }
0x72: {  	_ =	shalt  }
0x73: {  	_ =	shalt  }
0x74: {  	_ =	shalt  }
0x75: {  	_ =	shalt  }
0x76: {  	_ =	shalt  }
0x77: {  	_ =	shalt  }
0x78: {  	_ =	shalt  }
0x79: {  	_ =	shalt  }
0x7a: {  	_ =	shalt  }
0x7b: {  	_ =	shalt  }
0x7c: {  	_ =	shalt  }
0x7d: {  	_ =	shalt  }
0x7e: {  	_ =	shalt  }
0x7f: {  	_ =	shalt  }
0x80: {  	_ =	shalt  }
0x81: {  	_ =	shalt  }
0x82: {  	_ =	shalt  }
0x83: {  	_ =	shalt  }
0x84: {  	_ =	shalt  }
0x85: {  	_ =	shalt  }
0x86: {  	_ =	shalt  }
0x87: {  	_ =	shalt  }
.Lfunc_end0:
.L_simem_size_0:
called_computation_lowered:
.L_overlay_start_0:
0x88: {  	s2 =	sld [smem:$0x3FD9]  }
0x89: {  	s3 =	sld [smem:$0x3FFE];
	_ =	sdelay $0x1  }
0x8a: {  	s1 =	srdreg.scid  }
0x8b: {  	s0 =	sand.u32 $0x1, s1  }
0x8c: {  	s17 =	sshll.u32 s0, $0xA;
	s2 =	sadd.s32 s3, s2  }
0x8d: {  	s2 =	sadd.s32 s2, s17  }
0x8e: {  	[smem:$0x3FC7] =	sst s2  }
0x8f: {  	_ = 	snop  }
0x90: {  	s2 =	sld [smem:$0x3FD0];
	(tm) =	ssettm $0x1  }
0x91: {  	s18 =	sld [smem:$0x3FFB];
	_ =	sdelay $0x3  }
0x92: {  	_ =	strace s18  }
0x93: {  	s3 =	sld [smem:$0x3FFC];
	_ =	sdelay $0x3  }
0x94: {  	_ =	strace s3  }
0x95: {  	s3 =	sld [smem:$0x3FFD];
	_ =	sdelay $0x3  }
0x96: {  	_ =	strace s3  }
0x97: {  	_ =	strace $0x8FFFFFFF  }
0x98: {  	s19 =	sld [smem:$0x3FDB];
	_ =	sdelay $0x1  }
0x99: {  	s4 =	simm.s32 $_scs_section_size  }
0x9a: {  	s5 =	simm.s32 $_size__tile_overlayer_lowered;
	s6 =	simm.s32 $_tile_overlayer_lowered  }
0x9b: {  	s22 =	simm.s32 $0x1BFF;
	s21 =	sshll.u32 s6, $0x1;
	s3 =	sadd.s32 s4, s19  }
0x9c: {  	s7 =	simm.s32 $0x0;
	s20 =	sshll.u32 s5, $0x1;
	s5 =	sadd.s32 s21, s3  }
0x9d: {  	[timem:s7], [sflag:s22] =	dma.local [hbm:s5], s20  }
0x9e: {  	_ =	swait.ge [sflag:s22], s20  }
0x9f: {  	s4 =	ssub.s32 $0x0, s20;
	[sflag:s22] =	ssyncset.done $0x0  }
0xa0: {  	[sflag:s22] =	ssyncadd.s32 s4;
	_ =	sdelay $0x1  }
0xa1: {  	s23 =	simm.s32 $0x1B8B  }
0xa2: {  	_ =	swait.ge [sflag:s23], $0x1  }
0xa3: {  	[sflag:s23] =	ssyncset.done $0x0  }
0xa4: {  	s25 =	simm.s32 $0x1B8E;
	s24 =	sld [smem:$0x3FFE];
	[sflag:s23] =	ssyncadd.s32 $0xFFFFFFFF  }
0xa5: {  	s26 =	simm.s32 $execute0_lowered;
	[smem:$0x3FD2] =	sst s25  }
0xa6: {  	s5 =	sshll.u32 s26, $0x1;
	_ =	strace $0x80000046;
	[dreg:$0x1] =	wrdreg $0xFFFFFFFF  }
0xa7: {  	s28 =	simm.s32 $_size_execute0_lowered;
	s3 =	sadd.s32 s3, s5;
	[dreg:$0x0] =	wrdreg $0x0  }
0xa8: {  	s5 =	sshll.u32 s28, $0x1;
	[dreg:$0x2] =	wrdreg s3  }
0xa9: {  	[dreg:$0x3] =	wrdreg s5  }
0xaa: {  	[dreg:$0x4] =	wrdreg $0xC0  }
0xab: {  	_ =	task [dreg:s7], $0x5FFFF  }
0xac: {  	[dreg:$0x1] =	wrdreg $0xFFFFFFFF  }
0xad: {  	[dreg:$0x0] =	wrdreg $0x60  }
0xae: {  	[dreg:$0x2] =	wrdreg s2  }
0xaf: {  	[dreg:$0x3] =	wrdreg s24  }
0xb0: {  	[dreg:$0x4] =	wrdreg $0x9  }
0xb1: {  	_ =	task.clear_ibuf [dreg:s7], $0x5FFFF;
	_ =	strace $0x90000046  }
0xb2: {  	s29 =	simm.s32 $0x9;
	_ =	strace $0x80000048  }
0xb3: {  	_ =	swait.ge [sflag:s29], $0x1  }
0xb4: {  	[sflag:s29] =	ssyncadd.s32 $0xFFFFFFFF  }
0xb5: {  	_ =	strace $0x90000048  }
0xb6: {  	_ =	sfence  }
0xb7: {  	s30 =	sld [smem:$0x0];
	_ =	sdelay $0x2  }
0xb8: {  	s31 =	sshll.u32 s1, $0xD;
	s1 =	sshrl.u32 s1, $0x2  }
0xb9: {  	s3 =	sand.u32 $0x4000, s31;
	s1 =	sadd.s32 s1, s30  }
0xba: {  	s0 =	sor.u32 s3, s0;
	s1 =	sshll.u32 s1, $0x11  }
0xbb: {  	s0 =	sor.u32 s1, s0  }
0xbc: {  	s0 =	sadd.s32 $0x8F2B, s0  }
0xbd: {  	[sflag:s0] =	ssyncadd.remote.s32 $0x1  }
0xbe: {  	_ =	sfence.sel $0xFFFF  }
0xbf: {  	[dreg:$0x0] =	wrdreg $0xFFFFFFFF;
	(pc) =	sbr.abs _section_cstart, $3  }
0xc0: {  	[dreg:$0x1] =	wrdreg $0xFFFFFFFF  }
0xc1: {  	_ =	task.clear_ibuf [dreg:s7], $0x2FFFF;
	_ =	strace $0x9FFFFFFF  }
0xc2: {  	(tm) =	ssettm $0x7FFFFFFF  }
0xc3: {  	_ =	shalt  }
tec
execute0_lowered:
.L_overlay_start_1:
0x0: {  	(tag) =	ssettag $0x1  }
0x1: {  	v0 =	vimm.s32 $0xEFCDAB89  }
0x2: {  	v1 =	vimm.s32 $0x67452301;
	v2 =	vimm.s32 $0xDCFE98BA;
	v3 =	vimm.s32 $0x54761032  }
0x3: {  	v4 =	vimm.s32 $0xBA98FEDC;
	v5 =	vimm.s32 $0x32107654;
	v6 =	vimm.s32 $0xFEDCBA98  }
0x4: {  	v7 =	vimm.s32 $0x76543210;
	v8 =	vimm.s32 $0xDCBA9876;
	v9 =	vimm.s32 $0x65432100  }
0x5: {  	v10 =	vimm.s32 $0x54321000;
	v11 =	vimm.s32 $0xE40000;
	v12 =	vimm.s32 $0xBA987654  }
0x6: {  	v13 =	vimm.s32 $0x32100000;
	vm0 =	vcmask $0x3F30;
	vm2 =	vmmov $0x3  }
0x7: {  	vm3 =	vmmov $0xf;
	vm4 =	vmmov $0xff;
	v0 =	vunpack.c.l.s4.s8 v0  }
0x8: {  	v1 =	vunpack.c.l.s4.s8 v1;
	v2 =	vunpack.c.l.s4.s8 v2;
	v3 =	vunpack.c.l.s4.s8 v3  }
0x9: {  	v4 =	vunpack.c.l.s4.s8 v4;
	v5 =	vunpack.c.l.s4.s8 v5;
	v6 =	vunpack.c.l.s4.s8 v6  }
0xa: {  	v7 =	vunpack.c.l.s4.s8 v7;
	v8 =	vunpack.c.l.s4.s8 v8;
	v9 =	vunpack.c.l.s4.s8 v9  }
0xb: {  	v10 =	vunpack.c.l.s4.s8 v10;
	v11 =	vunpack.c.l.s2.s4 v11;
	v12 =	vunpack.c.l.s4.s8 v12  }
0xc: {  	v0 =	vunpack.c.0.s8.s32 v0;
	v1 =	vunpack.c.0.s8.s32 v1;
	v2 =	vunpack.c.0.s8.s32 v2  }
0xd: {  	v3 =	vunpack.c.0.s8.s32 v3;
	v4 =	vunpack.c.0.s8.s32 v4;
	v5 =	vunpack.c.0.s8.s32 v5  }
0xe: {  	v6 =	vunpack.c.0.s8.s32 v6;
	v7 =	vunpack.c.0.s8.s32 v7;
	v8 =	vunpack.c.0.s8.s32 v8  }
0xf: {  	v9 =	vunpack.c.0.s8.s32 v9;
	v10 =	vunpack.c.0.s8.s32 v10;
	v11 =	vunpack.c.l.s4.s8 v11  }
0x10: {  	v12 =	vunpack.c.0.s8.s32 v12;
	v0 =	vcombine.low v1, v0;
	v1 =	vcombine.low v3, v2  }
0x11: {  	s0 =	rddreg [dreg:$0x0];
	v2 =	vcombine.low v5, v4;
	v3 =	vand.u32 $0xF, v6;
	v4 =	vimm.s32 $0x0  }
0x12: {  	s4 =	rddreg [dreg:$0x1];
	v6 =	vimm.s32 $0xEDCBA987;
	v8 =	vand.u32 $0xF, v8;
	v3 =	vcombine.low v3, v7  }
0x13: {  	s1 =	rddreg [dreg:$0x2];
	s2 =	simm.s32 $0x0;
	s3 =	srdreg.scid;
	v7 =	vunpack.c.l.s4.s8 v6;
	v8 =	vcombine.low v10, v8;
	v10 =	vunpack.c.l.s4.s8 v13  }
.Ltmp0:
0x14: {  	[smem:$0x7FF] =	sst s2;
	s5 =	sand.u32 $0x1, s3;
	v11 =	vunpack.c.0.s8.s32 v11;
	v12 =	vand.u32 $0xF, v12;
	v13 =	vimm.s32 $0x7060504;
	(pc) =	sbr.rel .LBB2_1-.Ltmp0, $4  }
0x15: {  	s3 =	stileid.u32;
	s4 =	sadd.s32 $0x600, s4;
	s6 =	ssub.s32 $0x2, s5;
	v5 =	vand.u32 $0xF, v0;
	v7 =	vunpack.c.0.s8.s32 v7;
	v10 =	vunpack.c.0.s8.s32 v10  }
0x16: {  	s8 =	sshll.u32 s3, $0xE;
	s5 =	sshll.u32 s5, $0xD;
	s7 =	sshrl.u32 s6, $0x1;
	v6 =	vand.u32 $0xF, v1;
	v13 =	vunpack.c.0.s8.s32 v13;
	v14 =	vand.u32 $0x3, v11  }
0x17: {  	_ =	strace $0x80000047;
	s5 =	sor.u32 s5, s8;
	s6 =	ssub.s32 s6, s7;
	v11 =	vlaneseq.u32;
	v7 =	vand.u32 $0xF, v7;
	v10 =	vcombine.low v10, v12  }
0x18: {  	s8 =	simm.s32 $0x0;
	s7 =	simm.s32 $0x1;
	s6 =	smax.u32 s6, $0x1;
	v12 =	vsel vm0, v13, v14;
	v7 =	vcombine.low v9, v7;
	v9 =	vand.u32 $0xF, v2  }
.LBB2_33:
0x19: {  	s8 =	sadd.s32 $0x1, s8  }
0x1a: {  	p0 =	sne.s32 s8, s6  }
.Ltmp1:
0x1b: {  	_ = 	snop;
	(pc) =	sbr.rel @!p0 .LBB2_34-.Ltmp1, $1  }
0x1c: {  	_ =	sdelay $0x3  }
.LBB2_1:
.Ltmp2:
0x1d: {  	(pc) =	sbr.rel .LBB2_2-.Ltmp2, $2  }
0x1e: {  	_ =	sdelay $0x2  }
0x1f: {  	p1 =	por $0x1, $0x1;
	s9 =	simm.s32 $0x0  }
.LBB2_32:
.Ltmp3:
0x20: {  	s9 =	sadd.s32 s4, s9;
	(pc) =	sbr.rel @!p0 .LBB2_33-.Ltmp3, $4  }
0x21: {  	[hbm4b:s9+s2] =	stream.linear.scatter [tilespmem:s2], [sflag:$0x1], $0x8000, $0x38;
	[tilespmem:$0x10100] =	vst v63  }
0x22: {  	_ =	swait.ge [sflag:s7], $0x8000  }
0x23: {  	[sflag:s7] =	ssyncset.done $0x0  }
0x24: {  	p1 =	por $0x0, $0x0;
	s9 =	simm.s32 $0x1000;
	[sflag:s7] =	ssyncadd.s32 $0xFFFF8000  }
.LBB2_2:
0x25: {  	s9 =	sor.u32 s5, s9  }
0x26: {  	s10 =	simm.s32 $0x0;
	s11 =	sadd.s32 s0, s9  }
0x27: {  	[tilespmem:s10], [sflag:$0x1] =	stream.linear.gather [hbm4b:s11+s10], $0x8000, $0x38;
	[tilespmem:$0x10100] =	vst v63  }
0x28: {  	_ =	swait.ge [sflag:s7], $0x8000  }
0x29: {  	[sflag:s7] =	ssyncset.done $0x0  }
0x2a: {  	p0 =	por p1, p1;
	s11 =	simm.s32 $0x40;
	[sflag:s7] =	ssyncadd.s32 $0xFFFF8000  }
.LBB2_3:
0x2b: {  	v13 =	vmov s11;
	_ =	sdelay $0x3  }
0x2c: {  	s13 =	simm.s32 $0x0  }
0x2d: {  	v17 =	vld.idx.msk [tilespmem:v13+s13+$0x0 ss:$0x1], $0xffff  }
0x2e: {  	v19 =	vld.idx.msk [tilespmem:v13+s13+$0x10 ss:$0x1], $0xffff  }
0x2f: {  	v21 =	vld.idx.msk [tilespmem:v13+s13+$0x20 ss:$0x1], $0xffff  }
0x30: {  	v23 =	vld.idx.msk [tilespmem:v13+s13+$0x30 ss:$0x1], $0xffff  }
0x31: {  	v14 =	vld.idx.msk [tilespmem:v13+s13+$0xFFFFFFC0 ss:$0x1], $0xffff  }
0x32: {  	v18 =	vld.idx.msk [tilespmem:v13+s13+$0xFFFFFFD0 ss:$0x1], $0xffff  }
0x33: {  	v15 =	vld.idx.msk [tilespmem:v13+s13+$0xFFFFFFE0 ss:$0x1], $0xffff  }
0x34: {  	s12 =	simm.s32 $0x80;
	v22 =	vld.idx.msk [tilespmem:v13+s13+$0xFFFFFFF0 ss:$0x1], $0xffff  }
0x35: {  	v20 =	vld.idx.msk [tilespmem:v13+s12+$0x0 ss:$0x1], $0xffff  }
0x36: {  	v16 =	vld.idx.msk [tilespmem:v13+s12+$0x10 ss:$0x1], $0xffff;
	v17 =	vmax.f32 v17, v19;
	v23 =	vmax.f32 v21, v23  }
0x37: {  	s13 =	simm.s32 $0x400;
	v19 =	vimm.f32 $-Inf;
	v21 =	vld.idx.msk [tilespmem:v13+s12+$0x20 ss:$0x1], $0xffff;
	v23 =	vmax.f32 v17, v23;
	v17 =	vimm.f32 $-Inf  }
.LBB2_4:
0x38: {  	p1 =	sne.s32 s13, $0x1E00;
	v24 =	vld.idx.msk [tilespmem:v13+s12+$0x30 ss:$0x1], $0xffff;
	v25 =	vmax.f32 v14, v18;
	v19 =	vmax.f32 v19, v23  }
0x39: {  	v14 =	vld.idx.msk [tilespmem:v13+s12+$0xFFFFFFC0 ss:$0x1], $0xffff  }
0x3a: {  	v22 =	vmax.f32 v15, v22;
	v18 =	vld.idx.msk [tilespmem:v13+s12+$0xFFFFFFD0 ss:$0x1], $0xffff  }
.Ltmp4:
0x3b: {  	v23 =	vmax.f32 v25, v22;
	v15 =	vld.idx.msk [tilespmem:v13+s12+$0xFFFFFFE0 ss:$0x1], $0xffff;
	v25 =	vmov v20;
	(pc) =	sbr.rel @p1 .LBB2_4-.Ltmp4, $4  }
0x3c: {  	v17 =	vmax.f32 v17, v23;
	v22 =	vld.idx.msk [tilespmem:v13+s12+$0xFFFFFFF0 ss:$0x1], $0xffff;
	s12 =	sshra.s32 s13, $0x2  }
0x3d: {  	v20 =	vld.idx.msk [tilespmem:v13+s12+$0x0 ss:$0x1], $0xffff  }
0x3e: {  	v23 =	vmax.f32 v25, v16;
	v24 =	vmax.f32 v21, v24;
	v16 =	vld.idx.msk [tilespmem:v13+s12+$0x10 ss:$0x1], $0xffff  }
0x3f: {  	s13 =	sadd.s32 $0x200, s13;
	v23 =	vmax.f32 v23, v24;
	v21 =	vld.idx.msk [tilespmem:v13+s12+$0x20 ss:$0x1], $0xffff  }
0x40: {  	_ =	sdelay $0x3  }
0x41: {  	v24 =	vld.idx.msk [tilespmem:v13+s12+$0x30 ss:$0x1], $0xffff  }
0x42: {  	v25 =	vld.idx.msk [tilespmem:v13+s12+$0xFFFFFFC0 ss:$0x1], $0xffff  }
0x43: {  	v26 =	vld.idx.msk [tilespmem:v13+s12+$0xFFFFFFD0 ss:$0x1], $0xffff  }
0x44: {  	v27 =	vld.idx.msk [tilespmem:v13+s12+$0xFFFFFFE0 ss:$0x1], $0xffff  }
0x45: {  	v13 =	vld.idx.msk [tilespmem:v13+s12+$0xFFFFFFF0 ss:$0x1], $0xffff;
	_ =	sdelay $0x2  }
0x46: {  	v14 =	vmax.f32 v14, v18;
	s31 =	sshll.u32 s10, $0x4;
	s10 =	sadd.s32 $0x1, s10;
	v15 =	vmax.f32 v15, v22  }
0x47: {  	v61 =	vmax.f32 v19, v23;
	p1 =	sne.s32 s10, $0x10;
	v14 =	vmax.f32 v14, v15;
	v15 =	vmax.f32 v20, v16  }
.Ltmp5:
0x48: {  	v62 =	vmax.f32 v21, v24;
	v63 =	vmax.f32 v25, v26;
	v13 =	vmax.f32 v27, v13;
	(pc) =	sbr.rel @p1 .LBB2_3-.Ltmp5, $4  }
0x49: {  	v14 =	vmax.f32 v17, v14;
	v15 =	vmax.f32 v15, v62;
	v13 =	vmax.f32 v63, v13  }
0x4a: {  	v15 =	vmax.f32 v61, v15;
	v13 =	vmax.f32 v14, v13  }
0x4b: {  	s12 =	sand.u32 $0x3FFFFFF0, s31;
	v13 =	vmax.f32 v13, v15  }
0x4c: {  	s11 =	sadd.s32 $0x800, s11;
	[tilespmem:s12+$0x8000] =	vst v13  }
0x4d: {  	v13 =	vld [tilespmem:$0x8000]  }
0x4e: {  	v14 =	vld [tilespmem:$0x8010]  }
0x4f: {  	v15 =	vld [tilespmem:$0x8020]  }
0x50: {  	v16 =	vld [tilespmem:$0x8030]  }
0x51: {  	v17 =	vld [tilespmem:$0x8040]  }
0x52: {  	v18 =	vld [tilespmem:$0x8050]  }
0x53: {  	v21 =	vld [tilespmem:$0x8060];
	v13 =	vmax.f32 v13, v14  }
0x54: {  	v22 =	vld [tilespmem:$0x8070];
	v13 =	vmax.f32 v13, v15  }
0x55: {  	v23 =	vld [tilespmem:$0x8080];
	v13 =	vmax.f32 v13, v16  }
0x56: {  	v24 =	vld [tilespmem:$0x8090];
	v13 =	vmax.f32 v13, v17  }
0x57: {  	v25 =	vld [tilespmem:$0x80A0];
	v13 =	vmax.f32 v13, v18  }
0x58: {  	v26 =	vld [tilespmem:$0x80B0];
	v13 =	vmax.f32 v13, v21  }
0x59: {  	v27 =	vld [tilespmem:$0x80C0];
	v13 =	vmax.f32 v13, v22  }
0x5a: {  	v28 =	vld [tilespmem:$0x80D0];
	v13 =	vmax.f32 v13, v23  }
0x5b: {  	v14 =	vld [tilespmem:$0x80E0];
	v13 =	vmax.f32 v13, v24  }
0x5c: {  	v15 =	vld [tilespmem:$0x80F0];
	v13 =	vmax.f32 v13, v25  }
0x5d: {  	v13 =	vmax.f32 v13, v26  }
0x5e: {  	v13 =	vmax.f32 v13, v27  }
0x5f: {  	v13 =	vmax.f32 v13, v28  }
0x60: {  	v13 =	vmax.f32 v13, v14  }
0x61: {  	v13 =	vmax.f32 v13, v15  }
0x62: {  	v14 =	vperm.xlane v13, v0;
	_ =	sdelay $0x1  }
0x63: {  	v13 =	vmax.f32 v13, v14  }
0x64: {  	v14 =	vperm.xlane v13, v1;
	_ =	sdelay $0x1  }
0x65: {  	v13 =	vmax.f32 v13, v14  }
0x66: {  	v14 =	vperm.xlane v13, v2;
	_ =	sdelay $0x1  }
0x67: {  	v15 =	vld [tilespmem:$0x8000];
	v13 =	vmax.f32 v13, v14  }
0x68: {  	v16 =	vld [tilespmem:$0x8010];
	v14 =	vperm.xlane v13, v3  }
0x69: {  	v17 =	vld [tilespmem:$0x8020]  }
0x6a: {  	v18 =	vld [tilespmem:$0x8030];
	v13 =	vmax.f32 v13, v14  }
0x6b: {  	v20 =	vld [tilespmem:$0x8040];
	v14 =	vimm.s32 $0x80000000;
	v19 =	vsub.s32 $0x80000000, v13;
	vm0 =	vlt.s32 v13, $0x0  }
0x6c: {  	v29 =	vld [tilespmem:$0x8050];
	v13 =	vsel vm0, v19, v13;
	v19 =	vsub.s32 $0x80000000, v15;
	vm0 =	vlt.s32 v15, $0x0  }
0x6d: {  	v15 =	vsel vm0, v19, v15;
	v19 =	vsub.s32 $0x80000000, v16;
	vm0 =	vlt.s32 v16, $0x0  }
0x6e: {  	v16 =	vsel vm0, v19, v16;
	v19 =	vsub.s32 $0x80000000, v17;
	vm0 =	vlt.s32 v17, $0x0  }
0x6f: {  	v17 =	vsel vm0, v19, v17;
	v19 =	vsub.s32 $0x80000000, v18;
	vm0 =	vlt.s32 v18, $0x0  }
0x70: {  	v18 =	vsel vm0, v19, v18;
	v19 =	vsub.s32 $0x80000000, v20;
	vm0 =	vlt.s32 v20, $0x0  }
0x71: {  	v19 =	vsel vm0, v19, v20;
	v20 =	vsub.s32 $0x80000000, v29;
	vm0 =	vlt.s32 v29, $0x0  }
0x72: {  	v20 =	vsel vm0, v20, v29;
	v29 =	vsub.s32 $0x80000000, v21;
	vm0 =	vlt.s32 v21, $0x0  }
0x73: {  	v21 =	vsel vm0, v29, v21;
	v29 =	vsub.s32 $0x80000000, v22;
	vm0 =	vlt.s32 v22, $0x0  }
0x74: {  	v22 =	vsel vm0, v29, v22;
	v29 =	vsub.s32 $0x80000000, v23;
	vm0 =	vlt.s32 v23, $0x0  }
0x75: {  	v30 =	vld [tilespmem:$0x80E0];
	v23 =	vsel vm0, v29, v23;
	v29 =	vsub.s32 $0x80000000, v24;
	vm0 =	vlt.s32 v24, $0x0  }
0x76: {  	v31 =	vld [tilespmem:$0x80F0];
	v24 =	vsel vm0, v29, v24;
	v29 =	vsub.s32 $0x80000000, v25;
	vm0 =	vlt.s32 v25, $0x0  }
0x77: {  	v25 =	vsel vm0, v29, v25;
	v29 =	vsub.s32 $0x80000000, v26;
	vm0 =	vlt.s32 v26, $0x0  }
0x78: {  	v26 =	vsel vm0, v29, v26;
	v29 =	vsub.s32 $0x80000000, v27;
	vm0 =	vlt.s32 v27, $0x0  }
0x79: {  	v27 =	vsel vm0, v29, v27;
	v29 =	vsub.s32 $0x80000000, v28;
	vm0 =	vlt.s32 v28, $0x0  }
0x7a: {  	v28 =	vsel vm0, v29, v28;
	v29 =	vsub.s32 $0x80000000, v30;
	vm0 =	vlt.s32 v30, $0x0  }
0x7b: {  	v29 =	vsel vm0, v29, v30;
	v30 =	vsub.s32 $0x80000000, v31;
	vm0 =	vlt.s32 v31, $0x0  }
0x7c: {  	s10 =	simm.s32 $0x1F;
	v33 =	vand.u32 v13, v14;
	v32 =	vxor.u32 v14, v13;
	v30 =	vsel vm0, v30, v31;
	v31 =	vmovc v13  }
.LBB2_7:
0x7d: {  	p1 =	sne.s32 s10, $0x1;
	v34 =	vshra.s32 v32, $0x1  }
0x7e: {  	v32 =	vand.u32 $0x1, v32;
	v33 =	vadd.s32 v34, v33  }
0x7f: {  	v32 =	vadd.s32 v32, v33  }
0x80: {  	vm0 =	vge.s32 v15, v32;
	vm1 =	vge.s32 v16, v32  }
0x81: {  	v33 =	vsel vm0, $0x1, v4;
	v34 =	vsel vm1, $0x1, v4;
	vm0 =	vge.s32 v17, v32  }
0x82: {  	v33 =	vadd.s32 v34, v33;
	v34 =	vsel vm0, $0x1, v4;
	vm0 =	vge.s32 v18, v32  }
0x83: {  	v33 =	vadd.s32 v34, v33;
	v34 =	vsel vm0, $0x1, v4;
	vm0 =	vge.s32 v19, v32  }
0x84: {  	v33 =	vadd.s32 v34, v33;
	v34 =	vsel vm0, $0x1, v4;
	vm0 =	vge.s32 v20, v32  }
0x85: {  	v33 =	vadd.s32 v34, v33;
	v34 =	vsel vm0, $0x1, v4;
	vm0 =	vge.s32 v21, v32  }
0x86: {  	v33 =	vadd.s32 v34, v33;
	v34 =	vsel vm0, $0x1, v4;
	vm0 =	vge.s32 v22, v32  }
0x87: {  	v33 =	vadd.s32 v34, v33;
	v34 =	vsel vm0, $0x1, v4;
	vm0 =	vge.s32 v23, v32  }
0x88: {  	v33 =	vadd.s32 v34, v33;
	v34 =	vsel vm0, $0x1, v4;
	vm0 =	vge.s32 v24, v32  }
0x89: {  	v33 =	vadd.s32 v34, v33;
	v34 =	vsel vm0, $0x1, v4;
	vm0 =	vge.s32 v25, v32  }
0x8a: {  	v33 =	vadd.s32 v34, v33;
	v34 =	vsel vm0, $0x1, v4;
	vm0 =	vge.s32 v26, v32  }
0x8b: {  	v33 =	vadd.s32 v34, v33;
	v34 =	vsel vm0, $0x1, v4;
	vm0 =	vge.s32 v27, v32  }
0x8c: {  	v33 =	vadd.s32 v34, v33;
	v34 =	vsel vm0, $0x1, v4;
	vm0 =	vge.s32 v28, v32  }
0x8d: {  	v33 =	vadd.s32 v34, v33;
	v34 =	vsel vm0, $0x1, v4;
	vm0 =	vge.s32 v29, v32  }
0x8e: {  	v33 =	vadd.s32 v34, v33;
	v34 =	vsel vm0, $0x1, v4;
	vm0 =	vge.s32 v30, v32  }
0x8f: {  	v33 =	vadd.s32 v34, v33;
	v34 =	vsel vm0, $0x1, v4  }
0x90: {  	v33 =	vadd.s32 v34, v33  }
0x91: {  	v34 =	vperm.xlane v33, v0;
	_ =	sdelay $0x1  }
0x92: {  	v33 =	vadd.s32 v33, v34  }
0x93: {  	v34 =	vperm.xlane v33, v1;
	_ =	sdelay $0x1  }
0x94: {  	v33 =	vadd.s32 v34, v33  }
0x95: {  	v34 =	vperm.xlane v33, v2;
	_ =	sdelay $0x1  }
0x96: {  	v33 =	vadd.s32 v34, v33  }
0x97: {  	v34 =	vperm.xlane v33, v3  }
.Ltmp6:
0x98: {  	(pc) =	sbr.rel @p1 .LBB2_7-.Ltmp6, $4  }
0x99: {  	v33 =	vadd.s32 v34, v33  }
0x9a: {  	vm0 =	vgt.s32 v33, $0x40;
	v33 =	vadd.s32 $0xFFFFFFFF, v32  }
0x9b: {  	v14 =	vsel vm0, v32, v14;
	v31 =	vsel vm0, v31, v33  }
0x9c: {  	s10 =	sadd.s32 $0xFFFFFFFF, s10;
	v33 =	vand.u32 v31, v14;
	v32 =	vxor.u32 v14, v31  }
0x9d: {  	v31 =	vshra.s32 v32, $0x1  }
0x9e: {  	v63 =	vand.u32 $0x1, v32;
	v31 =	vadd.s32 v31, v33  }
0x9f: {  	v31 =	vadd.s32 v63, v31  }
0xa0: {  	vm0 =	vge.s32 v15, v31;
	vm1 =	vge.s32 v16, v31  }
0xa1: {  	v15 =	vsel vm0, $0x1, v4;
	v16 =	vsel vm1, $0x1, v4;
	vm0 =	vge.s32 v17, v31  }
0xa2: {  	v15 =	vadd.s32 v16, v15;
	v16 =	vsel vm0, $0x1, v4;
	vm0 =	vge.s32 v18, v31  }
0xa3: {  	v15 =	vadd.s32 v16, v15;
	v16 =	vsel vm0, $0x1, v4;
	vm0 =	vge.s32 v19, v31  }
0xa4: {  	v15 =	vadd.s32 v16, v15;
	v16 =	vsel vm0, $0x1, v4;
	vm0 =	vge.s32 v20, v31  }
0xa5: {  	v15 =	vadd.s32 v16, v15;
	v16 =	vsel vm0, $0x1, v4;
	vm0 =	vge.s32 v21, v31  }
0xa6: {  	v15 =	vadd.s32 v16, v15;
	v16 =	vsel vm0, $0x1, v4;
	vm0 =	vge.s32 v22, v31  }
0xa7: {  	v15 =	vadd.s32 v16, v15;
	v16 =	vsel vm0, $0x1, v4;
	vm0 =	vge.s32 v23, v31  }
0xa8: {  	v15 =	vadd.s32 v16, v15;
	v16 =	vsel vm0, $0x1, v4;
	vm0 =	vge.s32 v24, v31  }
0xa9: {  	v15 =	vadd.s32 v16, v15;
	v16 =	vsel vm0, $0x1, v4;
	vm0 =	vge.s32 v25, v31  }
0xaa: {  	v15 =	vadd.s32 v16, v15;
	v16 =	vsel vm0, $0x1, v4;
	vm0 =	vge.s32 v26, v31  }
0xab: {  	v15 =	vadd.s32 v16, v15;
	v16 =	vsel vm0, $0x1, v4;
	vm0 =	vge.s32 v27, v31  }
0xac: {  	v15 =	vadd.s32 v16, v15;
	v16 =	vsel vm0, $0x1, v4;
	vm0 =	vge.s32 v28, v31  }
0xad: {  	v15 =	vadd.s32 v16, v15;
	v16 =	vsel vm0, $0x1, v4;
	vm0 =	vge.s32 v29, v31  }
0xae: {  	v15 =	vadd.s32 v16, v15;
	v16 =	vsel vm0, $0x1, v4;
	vm0 =	vge.s32 v30, v31  }
0xaf: {  	v15 =	vadd.s32 v16, v15;
	v16 =	vsel vm0, $0x1, v4  }
0xb0: {  	v15 =	vadd.s32 v16, v15  }
0xb1: {  	v16 =	vperm.xlane v15, v0;
	_ =	sdelay $0x1  }
0xb2: {  	v15 =	vadd.s32 v15, v16  }
0xb3: {  	v16 =	vperm.xlane v15, v1;
	_ =	sdelay $0x1  }
0xb4: {  	v15 =	vadd.s32 v16, v15  }
0xb5: {  	v16 =	vperm.xlane v15, v2;
	_ =	sdelay $0x1  }
0xb6: {  	v15 =	vadd.s32 v16, v15  }
0xb7: {  	v16 =	vperm.xlane v15, v3;
	_ =	sdelay $0x1  }
.Ltmp7:
0xb8: {  	v15 =	vadd.s32 v16, v15;
	(pc) =	sbr.rel .LBB2_9-.Ltmp7, $4  }
0xb9: {  	vm0 =	vgt.s32 v15, $0x40  }
0xba: {  	v14 =	vsel vm0, v31, v14  }
0xbb: {  	vm0 =	vgt.s32 v14, $0x0;
	v15 =	vsub.s32 $0x80000000, v14  }
0xbc: {  	s10 =	simm.s32 $0x0;
	s11 =	simm.s32 $0x0;
	v15 =	vsel vm0, v14, v15  }
.LBB2_11:
0xbd: {  	s10 =	sadd.s32 $0x200, s10  }
0xbe: {  	p1 =	sne.s32 s10, $0x20000  }
.Ltmp8:
0xbf: {  	_ = 	snop;
	(pc) =	sbr.rel @!p1 .LBB2_12-.Ltmp8, $1  }
0xc0: {  	_ =	sdelay $0x3  }
.LBB2_9:
0xc1: {  	s12 =	sshra.s32 s10, $0x2  }
0xc2: {  	v16 =	vld [tilespmem:s12+$0x0]  }
0xc3: {  	v17 =	vld [tilespmem:s12+$0x10]  }
0xc4: {  	v18 =	vld [tilespmem:s12+$0x20]  }
0xc5: {  	v19 =	vld [tilespmem:s12+$0x30]  }
0xc6: {  	v20 =	vld [tilespmem:s12+$0x40]  }
0xc7: {  	v21 =	vld [tilespmem:s12+$0x50]  }
0xc8: {  	v22 =	vld [tilespmem:s12+$0x60]  }
0xc9: {  	v23 =	vld [tilespmem:s12+$0x70];
	_ =	sdelay $0x3  }
0xca: {  	v17 =	vmax.f32 v16, v17  }
0xcb: {  	v18 =	vmax.f32 v18, v19;
	v19 =	vmax.f32 v20, v21;
	v63 =	vmax.f32 v22, v23  }
0xcc: {  	v17 =	vmax.f32 v17, v18;
	v18 =	vmax.f32 v19, v63  }
0xcd: {  	v17 =	vmax.f32 v17, v18  }
0xce: {  	vm0 =	vge.f32 v17, v15  }
0xcf: {  	v17 =	vsel vm0, $0x1, v4  }
0xd0: {  	v18 =	vperm.xlane v17, v0;
	_ =	sdelay $0x1  }
0xd1: {  	v17 =	vadd.s32 v17, v18  }
0xd2: {  	v18 =	vperm.xlane v17, v1;
	_ =	sdelay $0x1  }
0xd3: {  	v17 =	vadd.s32 v18, v17  }
0xd4: {  	v18 =	vperm.xlane v17, v2;
	_ =	sdelay $0x1  }
0xd5: {  	v17 =	vadd.s32 v18, v17  }
0xd6: {  	v18 =	vperm.xlane v17, v3;
	_ =	sdelay $0x1  }
0xd7: {  	v17 =	vadd.s32 v18, v17  }
0xd8: {  	(v2sf) =	vpush v17, $0x0;
	_ =	sdelay $0xe  }
0xd9: {  	s13 =	spop (v2sf)  }
0xda: {  	p1 =	slt.s32 s13, $0x1  }
.Ltmp9:
0xdb: {  	_ = 	snop;
	(pc) =	sbr.rel @p1 .LBB2_11-.Ltmp9, $1  }
0xdc: {  	_ =	sdelay $0x3  }
0xdd: {  	vm0 =	vge.f32 v16, v15;
	s13 =	sshll.u32 s11, $0x6  }
0xde: {  	v16 =	vnsel vm0, $0xFF800000, v16;
	s13 =	sshra.s32 s13, $0x2;
	v17 =	vsel vm0, $0x1, v4  }
0xdf: {  	[tilespmem:s13+$0x8100] =	vst v16;
	v16 =	vperm.xlane v17, v5  }
0xe0: {  	v18 =	vld [tilespmem:s12+$0x10]  }
0xe1: {  	v16 =	vadd.s32 v17, v16  }
0xe2: {  	v17 =	vperm.xlane v16, v6;
	_ =	sdelay $0x1  }
0xe3: {  	v16 =	vadd.s32 v17, v16  }
0xe4: {  	v17 =	vperm.xlane v16, v9;
	vm0 =	vge.f32 v18, v15  }
0xe5: {  	v19 =	vsel vm0, $0x1, v4  }
0xe6: {  	v16 =	vadd.s32 v17, v16;
	v17 =	vperm.xlane v19, v5  }
0xe7: {  	v20 =	vperm.xlane v16, v3  }
0xe8: {  	v17 =	vadd.s32 v19, v17  }
0xe9: {  	v16 =	vadd.s32 v20, v16;
	v19 =	vperm.xlane v17, v6  }
0xea: {  	(v2sf) =	vpush v16, $0x0  }
0xeb: {  	v16 =	vadd.s32 v19, v17  }
0xec: {  	v17 =	vperm.xlane v16, v9;
	_ =	sdelay $0x1  }
0xed: {  	v16 =	vadd.s32 v17, v16  }
0xee: {  	v17 =	vperm.xlane v16, v3;
	_ =	sdelay $0x1  }
0xef: {  	v16 =	vadd.s32 v17, v16  }
0xf0: {  	(v2sf) =	vpush v16, $0x0;
	_ =	sdelay $0x6  }
0xf1: {  	s21 =	spop (v2sf)  }
0xf2: {  	s13 =	simm.s32 $0x1;
	p1 =	sgt.s32 s21, $0x0  }
0xf3: {  	s13 =	simm.s32 @!p1 $0x0  }
0xf4: {  	s22 =	sadd.s32 s13, s11  }
0xf5: {  	s13 =	sshll.u32 s22, $0x6  }
0xf6: {  	v16 =	vnsel vm0, $0xFF800000, v18;
	s13 =	sshra.s32 s13, $0x2  }
0xf7: {  	[tilespmem:s13+$0x8100] =	vst v16  }
0xf8: {  	v16 =	vld [tilespmem:s12+$0x20]  }
0xf9: {  	s23 =	spop (v2sf)  }
0xfa: {  	s13 =	simm.s32 $0x1;
	p1 =	sgt.s32 s23, $0x0  }
0xfb: {  	s13 =	simm.s32 @!p1 $0x0  }
0xfc: {  	s11 =	sadd.s32 s13, s22  }
0xfd: {  	vm0 =	vge.f32 v16, v15;
	s13 =	sshll.u32 s11, $0x6  }
0xfe: {  	v16 =	vnsel vm0, $0xFF800000, v16;
	s13 =	sshra.s32 s13, $0x2;
	v17 =	vsel vm0, $0x1, v4  }
0xff: {  	[tilespmem:s13+$0x8100] =	vst v16;
	v16 =	vperm.xlane v17, v5  }
0x100: {  	v54 =	vld [tilespmem:s12+$0x30]  }
0x101: {  	v16 =	vadd.s32 v17, v16  }
0x102: {  	v17 =	vperm.xlane v16, v6;
	_ =	sdelay $0x1  }
0x103: {  	v16 =	vadd.s32 v17, v16  }
0x104: {  	v17 =	vperm.xlane v16, v9;
	vm0 =	vge.f32 v54, v15  }
0x105: {  	v55 =	vsel vm0, $0x1, v4  }
0x106: {  	v16 =	vadd.s32 v17, v16;
	v17 =	vperm.xlane v55, v5  }
0x107: {  	v56 =	vperm.xlane v16, v3  }
0x108: {  	v17 =	vadd.s32 v55, v17  }
0x109: {  	v16 =	vadd.s32 v56, v16;
	v19 =	vperm.xlane v17, v6  }
0x10a: {  	(v2sf) =	vpush v16, $0x0  }
0x10b: {  	v16 =	vadd.s32 v19, v17  }
0x10c: {  	v17 =	vperm.xlane v16, v9;
	_ =	sdelay $0x1  }
0x10d: {  	v16 =	vadd.s32 v17, v16  }
0x10e: {  	v17 =	vperm.xlane v16, v3;
	_ =	sdelay $0x1  }
0x10f: {  	v16 =	vadd.s32 v17, v16  }
0x110: {  	(v2sf) =	vpush v16, $0x0;
	_ =	sdelay $0x6  }
0x111: {  	s24 =	spop (v2sf)  }
0x112: {  	s13 =	simm.s32 $0x1;
	p1 =	sgt.s32 s24, $0x0  }
0x113: {  	s13 =	simm.s32 @!p1 $0x0  }
0x114: {  	s11 =	sadd.s32 s13, s11  }
0x115: {  	s13 =	sshll.u32 s11, $0x6  }
0x116: {  	v16 =	vnsel vm0, $0xFF800000, v54;
	s13 =	sshra.s32 s13, $0x2  }
0x117: {  	[tilespmem:s13+$0x8100] =	vst v16  }
0x118: {  	v16 =	vld [tilespmem:s12+$0x40]  }
0x119: {  	s25 =	spop (v2sf)  }
0x11a: {  	s13 =	simm.s32 $0x1;
	p1 =	sgt.s32 s25, $0x0  }
0x11b: {  	s13 =	simm.s32 @!p1 $0x0  }
0x11c: {  	s11 =	sadd.s32 s13, s11  }
0x11d: {  	vm0 =	vge.f32 v16, v15;
	s13 =	sshll.u32 s11, $0x6  }
0x11e: {  	v16 =	vnsel vm0, $0xFF800000, v16;
	s13 =	sshra.s32 s13, $0x2;
	v17 =	vsel vm0, $0x1, v4  }
0x11f: {  	[tilespmem:s13+$0x8100] =	vst v16;
	v16 =	vperm.xlane v17, v5  }
0x120: {  	v57 =	vld [tilespmem:s12+$0x50]  }
0x121: {  	v16 =	vadd.s32 v17, v16  }
0x122: {  	v17 =	vperm.xlane v16, v6;
	_ =	sdelay $0x1  }
0x123: {  	v16 =	vadd.s32 v17, v16  }
0x124: {  	v17 =	vperm.xlane v16, v9;
	vm0 =	vge.f32 v57, v15  }
0x125: {  	v58 =	vsel vm0, $0x1, v4  }
0x126: {  	v16 =	vadd.s32 v17, v16;
	v17 =	vperm.xlane v58, v5  }
0x127: {  	v59 =	vperm.xlane v16, v3  }
0x128: {  	v17 =	vadd.s32 v58, v17  }
0x129: {  	v16 =	vadd.s32 v59, v16;
	v19 =	vperm.xlane v17, v6  }
0x12a: {  	(v2sf) =	vpush v16, $0x0  }
0x12b: {  	v16 =	vadd.s32 v19, v17  }
0x12c: {  	v17 =	vperm.xlane v16, v9;
	_ =	sdelay $0x1  }
0x12d: {  	v16 =	vadd.s32 v17, v16  }
0x12e: {  	v17 =	vperm.xlane v16, v3;
	_ =	sdelay $0x1  }
0x12f: {  	v16 =	vadd.s32 v17, v16  }
0x130: {  	(v2sf) =	vpush v16, $0x0;
	_ =	sdelay $0x6  }
0x131: {  	s26 =	spop (v2sf)  }
0x132: {  	s13 =	simm.s32 $0x1;
	p1 =	sgt.s32 s26, $0x0  }
0x133: {  	s13 =	simm.s32 @!p1 $0x0  }
0x134: {  	s11 =	sadd.s32 s13, s11  }
0x135: {  	s13 =	sshll.u32 s11, $0x6  }
0x136: {  	v16 =	vnsel vm0, $0xFF800000, v57;
	s13 =	sshra.s32 s13, $0x2  }
0x137: {  	[tilespmem:s13+$0x8100] =	vst v16  }
0x138: {  	v16 =	vld [tilespmem:s12+$0x60]  }
0x139: {  	s28 =	spop (v2sf)  }
0x13a: {  	s13 =	simm.s32 $0x1;
	p1 =	sgt.s32 s28, $0x0  }
0x13b: {  	s13 =	simm.s32 @!p1 $0x0  }
0x13c: {  	s11 =	sadd.s32 s13, s11  }
0x13d: {  	vm0 =	vge.f32 v16, v15;
	s13 =	sshll.u32 s11, $0x6  }
0x13e: {  	v16 =	vnsel vm0, $0xFF800000, v16;
	s13 =	sshra.s32 s13, $0x2  }
0x13f: {  	[tilespmem:s13+$0x8100] =	vst v16  }
0x140: {  	v16 =	vld [tilespmem:s12+$0x70];
	_ =	sdelay $0x2  }
0x141: {  	v17 =	vsel vm0, $0x1, v4  }
0x142: {  	v60 =	vperm.xlane v17, v5  }
0x143: {  	vm0 =	vge.f32 v16, v15  }
0x144: {  	v17 =	vadd.s32 v17, v60;
	v61 =	vsel vm0, $0x1, v4  }
0x145: {  	v62 =	vperm.xlane v17, v6;
	v63 =	vperm.xlane v61, v5;
	_ =	sdelay $0x1  }
0x146: {  	v17 =	vadd.s32 v62, v17;
	v18 =	vadd.s32 v61, v63  }
0x147: {  	v19 =	vperm.xlane v17, v9;
	v20 =	vperm.xlane v18, v6;
	_ =	sdelay $0x1  }
0x148: {  	v17 =	vadd.s32 v19, v17;
	v18 =	vadd.s32 v20, v18  }
0x149: {  	v19 =	vperm.xlane v17, v3;
	v20 =	vperm.xlane v18, v9;
	_ =	sdelay $0x1  }
0x14a: {  	v17 =	vadd.s32 v19, v17;
	v18 =	vadd.s32 v20, v18  }
0x14b: {  	(v2sf) =	vpush v17, $0x0;
	v17 =	vperm.xlane v18, v3;
	_ =	sdelay $0x1  }
0x14c: {  	v17 =	vadd.s32 v17, v18  }
0x14d: {  	(v2sf) =	vpush v17, $0x0;
	_ =	sdelay $0xb  }
0x14e: {  	s29 =	spop (v2sf)  }
0x14f: {  	s12 =	simm.s32 $0x1;
	p1 =	sgt.s32 s29, $0x0  }
.Ltmp10:
0x150: {  	s12 =	simm.s32 @!p1 $0x0;
	(pc) =	sbr.rel .LBB2_11-.Ltmp10, $4  }
0x151: {  	s11 =	sadd.s32 s12, s11;
	s30 =	spop (v2sf)  }
0x152: {  	s12 =	simm.s32 $0x1;
	s31 =	sshll.u32 s11, $0x6;
	p1 =	sgt.s32 s30, $0x0  }
0x153: {  	v16 =	vnsel vm0, $0xFF800000, v16;
	s13 =	sshra.s32 s31, $0x2;
	s12 =	simm.s32 @!p1 $0x0  }
0x154: {  	[tilespmem:s13+$0x8100] =	vst v16;
	s11 =	sadd.s32 s12, s11  }
.LBB2_12:
.Ltmp11:
0x155: {  	(pc) =	sbr.rel .LBB2_13-.Ltmp11, $2  }
0x156: {  	_ =	sdelay $0x2  }
0x157: {  	s10 =	simm.s32 $0x0  }
.LBB2_16:
0x158: {  	v17 =	vsel vm0, v18, v17  }
0x159: {  	vm0 =	vge.s32 v17, v15  }
0x15a: {  	v17 =	vsel vm0, $0x1, v4  }
0x15b: {  	v16 =	vadd.s32 v17, v16  }
.LBB2_17:
0x15c: {  	v17 =	vperm.xlane v16, v0;
	_ =	sdelay $0x1  }
0x15d: {  	v16 =	vadd.s32 v16, v17  }
0x15e: {  	v17 =	vperm.xlane v16, v1;
	_ =	sdelay $0x1  }
0x15f: {  	v16 =	vadd.s32 v17, v16  }
0x160: {  	v17 =	vperm.xlane v16, v2  }
0x161: {  	s10 =	sadd.s32 $0x1, s10  }
0x162: {  	p2 =	sne.s32 s10, $0x20;
	v16 =	vadd.s32 v17, v16  }
.Ltmp12:
0x163: {  	v17 =	vperm.xlane v16, v3;
	(pc) =	sbr.rel @!p2 .LBB2_18-.Ltmp12, $4  }
0x164: {  	_ = 	snop  }
0x165: {  	v16 =	vadd.s32 v17, v16  }
0x166: {  	v63 =	vadd.s32 $0xFFFFFFFF, v15;
	vm0 =	vgt.s32 v16, $0x3F  }
0x167: {  	v14 =	vsel vm0, v15, v14;
	v13 =	vsel vm0, v13, v63  }
.LBB2_13:
0x168: {  	p1 =	slt.s32 s11, $0x1  }
.Ltmp13:
0x169: {  	_ = 	snop;
	(pc) =	sbr.rel @p1 .LBB2_17-.Ltmp13, $4  }
0x16a: {  	v15 =	vxor.u32 v14, v13  }
0x16b: {  	v16 =	vand.u32 v13, v14;
	v17 =	vshra.s32 v15, $0x1  }
0x16c: {  	v15 =	vand.u32 $0x1, v15;
	v16 =	vadd.s32 v17, v16  }
0x16d: {  	s13 =	simm.s32 $0x8100;
	v15 =	vadd.s32 v15, v16;
	v16 =	vimm.s32 $0x0  }
0x16e: {  	v17 =	vld [tilespmem:s13+$0x0];
	p2 =	sne.s32 s11, $0x1  }
.Ltmp14:
0x16f: {  	_ = 	snop;
	(pc) =	sbr.rel @!p2 .LBB2_16-.Ltmp14, $2  }
0x170: {  	_ =	sdelay $0x2  }
0x171: {  	s12 =	sadd.s32 $0xFFFFFFFF, s11;
	s13 =	sadd.s32 $0x10, s13;
	v18 =	vsub.s32 $0x80000000, v17;
	vm0 =	vlt.s32 v17, $0x0  }
.LBB2_15:
0x172: {  	p2 =	sne.s32 s12, $0x1;
	s12 =	sadd.s32 $0xFFFFFFFF, s12;
	v18 =	vsel vm0, v18, v17;
	v17 =	vld [tilespmem:s13+$0x0]  }
.Ltmp15:
0x173: {  	vm0 =	vge.s32 v18, v15;
	(pc) =	sbr.rel @p2 .LBB2_15-.Ltmp15, $3  }
0x174: {  	v18 =	vsel vm0, $0x1, v4  }
0x175: {  	v16 =	vadd.s32 v18, v16;
	_ =	sdelay $0x1  }
0x176: {  	s13 =	sadd.s32 $0x10, s13;
	v18 =	vsub.s32 $0x80000000, v17;
	vm0 =	vlt.s32 v17, $0x0  }
.Ltmp16:
0x177: {  	_ = 	snop;
	(pc) =	sbr.rel .LBB2_16-.Ltmp16, $1  }
0x178: {  	_ =	sdelay $0x3  }
.LBB2_18:
.Ltmp17:
0x179: {  	(pc) =	sbr.rel @p1 .LBB2_22-.Ltmp17, $2  }
0x17a: {  	_ =	sdelay $0x2  }
0x17b: {  	vm0 =	veq.s32 v14, $0x7FFFFFFF;
	v13 =	vimm.s32 $0x0;
	v15 =	vimm.s32 $0x0  }
0x17c: {  	s10 =	simm.s32 $0x8100  }
0x17d: {  	p2 =	sne.s32 s11, $0x1;
	v16 =	vld [tilespmem:s10+$0x0]  }
.Ltmp18:
0x17e: {  	_ = 	snop;
	(pc) =	sbr.rel @!p2 .LBB2_21-.Ltmp18, $3  }
0x17f: {  	_ =	sdelay $0x1  }
0x180: {  	v15 =	vadd.s32 $0x1, v14;
	v17 =	vimm.s32 $0x0  }
0x181: {  	s12 =	simm.s32 $0x8110;
	v15 =	vsel vm0, $0x7FFFFFFF, v15;
	s10 =	sadd.s32 $0xFFFFFFFF, s11;
	v18 =	vsub.s32 $0x80000000, v16;
	vm1 =	vlt.s32 v16, $0x0  }
.LBB2_20:
0x182: {  	p2 =	sne.s32 s10, $0x1;
	s10 =	sadd.s32 $0xFFFFFFFF, s10;
	v18 =	vsel vm1, v18, v16;
	v16 =	vld [tilespmem:s12+$0x0]  }
.Ltmp19:
0x183: {  	vm1 =	vge.s32 v18, v15;
	(pc) =	sbr.rel @p2 .LBB2_20-.Ltmp19, $3  }
0x184: {  	v18 =	vsel vm1, $0x1, v4  }
0x185: {  	v17 =	vadd.s32 v18, v17;
	_ =	sdelay $0x1  }
0x186: {  	s12 =	sadd.s32 $0x10, s12;
	v18 =	vsub.s32 $0x80000000, v16;
	vm1 =	vlt.s32 v16, $0x0  }
.LBB2_21:
0x187: {  	v16 =	vsel vm1, v18, v16  }
0x188: {  	vm1 =	vge.s32 v16, v15  }
0x189: {  	v15 =	vsel vm1, $0x1, v4  }
0x18a: {  	v15 =	vadd.s32 v15, v17  }
.LBB2_22:
.Ltmp20:
0x18b: {  	(pc) =	sbr.rel @p1 .LBB2_26-.Ltmp20, $2  }
0x18c: {  	_ =	sdelay $0x2  }
0x18d: {  	s12 =	simm.s32 $0x8100  }
0x18e: {  	v16 =	vld [tilespmem:s12+$0x0];
	p1 =	sne.s32 s11, $0x1  }
.Ltmp21:
0x18f: {  	_ = 	snop;
	(pc) =	sbr.rel @!p1 .LBB2_25-.Ltmp21, $2  }
0x190: {  	_ =	sdelay $0x2  }
0x191: {  	s10 =	sadd.s32 $0xFFFFFFFF, s11;
	s11 =	sadd.s32 $0x10, s12;
	v17 =	vsub.s32 $0x80000000, v16;
	vm1 =	vlt.s32 v16, $0x0  }
.LBB2_24:
0x192: {  	p1 =	sne.s32 s10, $0x1;
	s10 =	sadd.s32 $0xFFFFFFFF, s10;
	v17 =	vsel vm1, v17, v16;
	v16 =	vld [tilespmem:s11+$0x0]  }
.Ltmp22:
0x193: {  	vm1 =	veq.s32 v17, v14;
	(pc) =	sbr.rel @p1 .LBB2_24-.Ltmp22, $3  }
0x194: {  	v17 =	vsel vm1, $0x1, v4  }
0x195: {  	v13 =	vadd.s32 v17, v13;
	_ =	sdelay $0x1  }
0x196: {  	s11 =	sadd.s32 $0x10, s11;
	v17 =	vsub.s32 $0x80000000, v16;
	vm1 =	vlt.s32 v16, $0x0  }
.LBB2_25:
0x197: {  	v16 =	vsel vm1, v17, v16  }
0x198: {  	vm1 =	veq.s32 v16, v14  }
0x199: {  	v16 =	vsel vm1, $0x1, v4  }
0x19a: {  	v13 =	vadd.s32 v16, v13  }
.LBB2_26:
0x19b: {  	v16 =	vperm.xlane v15, v0;
	_ =	sdelay $0x1  }
0x19c: {  	v15 =	vadd.s32 v15, v16  }
0x19d: {  	v16 =	vperm.xlane v15, v1;
	_ =	sdelay $0x1  }
0x19e: {  	v15 =	vadd.s32 v16, v15  }
0x19f: {  	v17 =	vperm.xlane v13, v0;
	v16 =	vperm.xlane v15, v2;
	_ =	sdelay $0x1  }
0x1a0: {  	s10 =	simm.s32 $0x0;
	v13 =	vadd.s32 v13, v17;
	v15 =	vadd.s32 v16, v15  }
0x1a1: {  	v20 =	vld [tilespmem:s10+$0x0];
	v17 =	vperm.xlane v13, v1;
	v16 =	vperm.xlane v15, v3  }
0x1a2: {  	v18 =	vld [tilespmem:s10+$0x10]  }
0x1a3: {  	v21 =	vadd.s32 v17, v13;
	v19 =	vadd.s32 v15, v16;
	v15 =	vld [tilespmem:s10+$0x20]  }
0x1a4: {  	vm1 =	vgt.s32 v14, $0x0;
	v13 =	vsub.s32 $0x80000000, v14;
	v22 =	vperm.xlane v21, v2;
	v16 =	vld [tilespmem:s10+$0x30]  }
0x1a5: {  	v17 =	vld [tilespmem:s10+$0x40];
	v13 =	vsel vm1, v14, v13;
	v14 =	vsub.s32 $0x40, v19  }
0x1a6: {  	v21 =	vadd.s32 v22, v21;
	v19 =	vld [tilespmem:s10+$0x50];
	v14 =	vsel vm0, $0x40, v14;
	vm0 =	vge.f32 v20, v13  }
0x1a7: {  	s11 =	simm.s32 $0x200;
	v22 =	vperm.xlane v21, v3;
	v23 =	vnsel vm0, $0x0, v20;
	vm0 =	vge.f32 v18, v13;
	v20 =	vld [tilespmem:s10+$0x60]  }
.LBB2_27:
0x1a8: {  	s12 =	sshra.s32 s11, $0x2;
	p1 =	sne.s32 s11, $0x1FE00;
	[tilespmem:s10+$0x0] =	vst v23;
	v18 =	vnsel vm0, $0x0, v18;
	vm0 =	vge.f32 v15, v13;
	v23 =	vld [tilespmem:s10+$0x70]  }
0x1a9: {  	v24 =	vld [tilespmem:s12+$0x0];
	[tilespmem:s10+$0x10] =	vst v18;
	v15 =	vnsel vm0, $0x0, v15;
	vm0 =	vge.f32 v16, v13  }
0x1aa: {  	v18 =	vld [tilespmem:s12+$0x10];
	[tilespmem:s10+$0x20] =	vst v15;
	v16 =	vnsel vm0, $0x0, v16;
	vm0 =	vge.f32 v17, v13  }
.Ltmp23:
0x1ab: {  	v15 =	vld [tilespmem:s12+$0x20];
	[tilespmem:s10+$0x30] =	vst v16;
	v17 =	vnsel vm0, $0x0, v17;
	vm0 =	vge.f32 v19, v13;
	(pc) =	sbr.rel @p1 .LBB2_27-.Ltmp23, $4  }
0x1ac: {  	v16 =	vld [tilespmem:s12+$0x30];
	[tilespmem:s10+$0x40] =	vst v17;
	v19 =	vnsel vm0, $0x0, v19;
	vm0 =	vge.f32 v20, v13  }
0x1ad: {  	v17 =	vld [tilespmem:s12+$0x40];
	[tilespmem:s10+$0x50] =	vst v19;
	v20 =	vnsel vm0, $0x0, v20;
	vm0 =	vge.f32 v23, v13  }
0x1ae: {  	vm1 =	vge.f32 v24, v13;
	v19 =	vld [tilespmem:s12+$0x50];
	[tilespmem:s10+$0x60] =	vst v20;
	v25 =	vnsel vm0, $0x0, v23  }
0x1af: {  	s11 =	sadd.s32 $0x200, s11;
	v23 =	vnsel vm1, $0x0, v24;
	vm0 =	vge.f32 v18, v13;
	v20 =	vld [tilespmem:s12+$0x60];
	[tilespmem:s10+$0x70] =	vst v25;
	s10 =	smov.u32 s12  }
0x1b0: {  	v22 =	vsub.s32 v22, v14  }
0x1b1: {  	v21 =	vadd.s32 v21, v22  }
0x1b2: {  	(v2sf) =	vpush v21, $0x0;
	_ =	sdelay $0xd  }
0x1b3: {  	[tilespmem:s10+$0x0] =	vst v23;
	v18 =	vnsel vm0, $0x0, v18;
	vm0 =	vge.f32 v15, v13;
	v63 =	vld [tilespmem:s10+$0x70]  }
0x1b4: {  	[tilespmem:s10+$0x10] =	vst v18;
	v15 =	vnsel vm0, $0x0, v15;
	vm0 =	vge.f32 v16, v13;
	s11 =	spop (v2sf)  }
0x1b5: {  	[tilespmem:s10+$0x20] =	vst v15;
	v15 =	vnsel vm0, $0x0, v16;
	vm0 =	vge.f32 v17, v13;
	p1 =	slt.s32 s11, $0x1  }
.Ltmp24:
0x1b6: {  	[tilespmem:s10+$0x30] =	vst v15;
	v15 =	vnsel vm0, $0x0, v17;
	vm0 =	vge.f32 v19, v13;
	(pc) =	sbr.rel @p1 .LBB2_32-.Ltmp24, $4  }
0x1b7: {  	[tilespmem:s10+$0x40] =	vst v15;
	v15 =	vnsel vm0, $0x0, v19;
	vm0 =	vge.f32 v20, v13  }
0x1b8: {  	[tilespmem:s10+$0x50] =	vst v15;
	v15 =	vnsel vm0, $0x0, v20;
	vm0 =	vge.f32 v63, v13  }
0x1b9: {  	[tilespmem:s10+$0x60] =	vst v15;
	v15 =	vnsel vm0, $0x0, v63  }
0x1ba: {  	[tilespmem:s10+$0x70] =	vst v15  }
0x1bb: {  	s10 =	simm.s32 $0x0;
	s11 =	simm.s32 $0x40;
	v15 =	vmov v14  }
.LBB2_30:
0x1bc: {  	p1 =	sne.s32 s11, $0x1FFC0;
	v16 =	vld [tilespmem:s10+$0x0];
	_ =	sdelay $0x4  }
0x1bd: {  	vm1 =	veq.f32 v16, v13  }
0x1be: {  	v17 =	vsel vm1, $0x1, v4  }
0x1bf: {  	v18 =	vperm.xlane v17, v7;
	v19 =	vperm.xlane v17, v0  }
0x1c0: {  	vm0 =	veq.s32 v11, $0x0  }
0x1c1: {  	v18 =	vsel vm0, $0x0, v18;
	v19 =	vadd.s32 v17, v19  }
0x1c2: {  	v17 =	vadd.s32 v17, v18;
	v18 =	vperm.xlane v19, v1  }
0x1c3: {  	v20 =	vperm.xlane v17, v8  }
0x1c4: {  	v18 =	vadd.s32 v18, v19  }
0x1c5: {  	v19 =	vsel vm2, $0x0, v20;
	v20 =	vperm.xlane v18, v2  }
0x1c6: {  	v17 =	vadd.s32 v19, v17  }
0x1c7: {  	v19 =	vperm.xlane v17, v10;
	v18 =	vadd.s32 v20, v18  }
0x1c8: {  	v20 =	vperm.xlane v18, v3  }
0x1c9: {  	v19 =	vsel vm3, $0x0, v19  }
0x1ca: {  	v17 =	vadd.s32 v19, v17;
	v18 =	vadd.s32 v18, v20  }
0x1cb: {  	v19 =	vperm.xlane v17, v12;
	v14 =	vsub.s32 v14, v18;
	_ =	sdelay $0x1  }
0x1cc: {  	v18 =	vsel vm1, $0xFFFFFFFF, v4;
	v19 =	vsel vm4, $0x0, v19  }
0x1cd: {  	v18 =	vadd.s32 v18, v19  }
.Ltmp25:
0x1ce: {  	v17 =	vadd.s32 v17, v18;
	(pc) =	sbr.rel @p1 .LBB2_30-.Ltmp25, $4  }
0x1cf: {  	vm5 =	vge.s32 v17, v15;
	v15 =	vmov v14  }
0x1d0: {  	vm1 =	vmand vm1, vm5  }
0x1d1: {  	v16 =	vsel vm1, $0x0, v16  }
0x1d2: {  	[tilespmem:s10+$0x0] =	vst v16;
	s10 =	sshra.s32 s11, $0x2;
	s11 =	sadd.s32 $0x40, s11  }
0x1d3: {  	v14 =	vld [tilespmem:s10+$0x0];
	_ =	sdelay $0x4  }
0x1d4: {  	vm1 =	veq.f32 v14, v13  }
0x1d5: {  	v13 =	vsel vm1, $0x1, v4  }
0x1d6: {  	v16 =	vperm.xlane v13, v7;
	_ =	sdelay $0x1  }
0x1d7: {  	v16 =	vsel vm0, $0x0, v16  }
0x1d8: {  	v13 =	vadd.s32 v13, v16  }
0x1d9: {  	v16 =	vperm.xlane v13, v8;
	_ =	sdelay $0x1  }
0x1da: {  	v16 =	vsel vm2, $0x0, v16  }
0x1db: {  	v13 =	vadd.s32 v16, v13  }
0x1dc: {  	v16 =	vperm.xlane v13, v10;
	_ =	sdelay $0x1  }
0x1dd: {  	v16 =	vsel vm3, $0x0, v16  }
0x1de: {  	v13 =	vadd.s32 v16, v13  }
0x1df: {  	v16 =	vperm.xlane v13, v12;
	_ =	sdelay $0x1  }
0x1e0: {  	v17 =	vsel vm1, $0xFFFFFFFF, v4;
	v16 =	vsel vm4, $0x0, v16  }
0x1e1: {  	v16 =	vadd.s32 v17, v16  }
.Ltmp26:
0x1e2: {  	v13 =	vadd.s32 v13, v16;
	(pc) =	sbr.rel .LBB2_32-.Ltmp26, $4  }
0x1e3: {  	vm0 =	vge.s32 v13, v15  }
0x1e4: {  	vm0 =	vmand vm1, vm0  }
0x1e5: {  	v13 =	vsel vm0, $0x0, v14  }
0x1e6: {  	[tilespmem:s10+$0x0] =	vst v13  }
.LBB2_34:
0x1e7: {  	_ =	sfence.sel $0x180000  }
0x1e8: {  	[bflag:$0x0] =	sbarrier.arrive $0xFFFF  }
0x1e9: {  	p0 =	sne.s32 s3, $0x0;
	_ =	strace $0x90000047  }
0x1ea: {  	s0 =	sadd.s32 @!p0 $0x100000, s1;
	[bflag:$0x2] =	sbarrier.arrive $0xFFFF  }
0x1eb: {  	[sflag:s0] =	ssyncadd.tile.s32 @!p0 $0x1;
	_ =	shalt  }
.Lfunc_end2:
_tile_overlayer_lowered:
.L_overlay_start_2:
0x1ec: {  	(tag) =	ssettag $0x2  }
0x1ed: {  	s0 =	rddreg [dreg:$0x0];
	s2 =	stileid.u32  }
0x1ee: {  	s1 =	rddreg [dreg:$0x1];
	p0 =	sne.s32 s2, $0x0  }
0x1ef: {  	s3 =	rddreg [dreg:$0x2];
	[bflag:$0x3] =	sbarrier.arrive $0xFFFF;
	s2 =	simm.s32 @!p0 $0x1C01  }
0x1f0: {  	[timem:s3], [sflag:s2] =	dma.local @!p0 [hbm:s0], s1  }
0x1f1: {  	s0 =	simm.s32 @!p0 $0x1  }
0x1f2: {  	_ =	swait.ge @!p0 [sflag:s0], s1  }
0x1f3: {  	s1 =	ssub.s32 @!p0 $0x0, s1;
	[sflag:s0] =	ssyncset.done @!p0 $0x0  }
0x1f4: {  	[sflag:s0] =	ssyncadd.s32 @!p0 s1  }
0x1f5: {  	[bflag:$0x3] =	sbarrier.arrive $0xFFFF  }
0x1f6: {  	_ =	shalt  }

</sc_bundles>
